<compile_context>
chip_gen: v7x
topology: tpu7x:2x2x1
jax: 0.10.2.dev20260603
libtpu: 0.0.44.dev20260713+nightly
codegen_flags: <defaults>
</compile_context>

<pallas_src>
import functools

import jax
import jax.numpy as jnp
from jax import lax
from jax.experimental import pallas as pl
from jax.experimental.pallas import tpu as pltpu
from jax.experimental.pallas import tpu_sc as plsc

N = 10000
M = 2500
NNZ = 320000
D = 128
M_PAD = 2560
N_PAD = 10240

NC = 2
NS = 16
NW = NC * NS
KCH = 80
CH_T = NNZ // NW // KCH
ME_T = M_PAD // NS

CB = 6400
CNB = NNZ // CB


@functools.lru_cache(maxsize=None)
def _sc_mesh():
    return plsc.VectorSubcoreMesh(
        core_axis_name="c", subcore_axis_name="s", num_cores=NC, num_subcores=NS
    )


def _mm_body(x_ref, w_ref, b_ref, o_ref):
    acc = jnp.dot(x_ref[...], w_ref[...], preferred_element_type=jnp.float32)
    o_ref[...] = acc + b_ref[...]


def _linear(X, W, b2):
    blk = 1000
    return pl.pallas_call(
        _mm_body,
        grid=(N // blk,),
        in_specs=[
            pl.BlockSpec((blk, D), lambda i: (i, 0)),
            pl.BlockSpec((D, D), lambda i: (0, 0)),
            pl.BlockSpec((1, D), lambda i: (0, 0)),
        ],
        out_specs=pl.BlockSpec((blk, D), lambda i: (i, 0)),
        out_shape=jax.ShapeDtypeStruct((N, D), jnp.float32),
    )(X, W, b2)


def _cnt_body(v_ref, e_ref, cv_ref, ce_ref):
    i = pl.program_id(0)

    @pl.when(i == 0)
    def _():
        cv_ref[...] = jnp.zeros_like(cv_ref)
        ce_ref[...] = jnp.zeros_like(ce_ref)

    dn = (((0,), (0,)), ((), ()))
    lo_iota = lax.broadcasted_iota(jnp.int32, (CB, D), 1)

    v = v_ref[0, 0]
    v_hi = (v[:, None] >> 7) == lax.broadcasted_iota(
        jnp.int32, (CB, N_PAD // D), 1)
    v_lo = (v[:, None] & 127) == lo_iota
    cv_ref[...] += lax.dot_general(
        v_hi.astype(jnp.bfloat16), v_lo.astype(jnp.bfloat16), dn,
        preferred_element_type=jnp.float32)

    e = e_ref[0, 0]
    e_hi = (e[:, None] >> 7) == lax.broadcasted_iota(
        jnp.int32, (CB, M_PAD // D), 1)
    e_lo = (e[:, None] & 127) == lo_iota
    ce_ref[...] += lax.dot_general(
        e_hi.astype(jnp.bfloat16), e_lo.astype(jnp.bfloat16), dn,
        preferred_element_type=jnp.float32)


def _counts(v3, e3):
    return pl.pallas_call(
        _cnt_body,
        grid=(CNB,),
        in_specs=[
            pl.BlockSpec((1, 1, CB), lambda i: (i, 0, 0)),
            pl.BlockSpec((1, 1, CB), lambda i: (i, 0, 0)),
        ],
        out_specs=[
            pl.BlockSpec((N_PAD // D, D), lambda i: (0, 0)),
            pl.BlockSpec((M_PAD // D, D), lambda i: (0, 0)),
        ],
        out_shape=(
            jax.ShapeDtypeStruct((N_PAD // D, D), jnp.float32),
            jax.ShapeDtypeStruct((M_PAD // D, D), jnp.float32),
        ),
    )(v3, e3)


def _unpack_idx(vidx, eidx):
    def _row(r, _):
        for k in range(KCH // 16):
            sl = pl.ds(16 * k, 16)
            w = eidx[r, sl]
            vidx[r, sl] = lax.shift_right_logical(w, 12)
            eidx[r, sl] = lax.bitwise_and(w, 4095)
        return 0

    lax.fori_loop(0, CH_T, _row, 0)


def _pipelined_pairs(src_ref, g_idx, s_idx, acc, rows0, rows1, sem0, sem1):
    def g(j, buf, sem):
        return pltpu.make_async_copy(src_ref.at[g_idx.at[j]], buf, sem)

    g(0, rows0, sem0).start()

    def body(i, _):
        j0 = 2 * i
        g(j0 + 1, rows1, sem1).start()
        g(j0, rows0, sem0).wait()
        pltpu.sync_copy(rows0, acc.at[s_idx.at[j0]], add=True)
        g(j0 + 2, rows0, sem0).start()
        g(j0 + 1, rows1, sem1).wait()
        pltpu.sync_copy(rows1, acc.at[s_idx.at[j0 + 1]], add=True)
        return 0

    lax.fori_loop(0, CH_T // 2, body, 0)
    g(CH_T - 1, rows0, sem0).wait()
    pltpu.sync_copy(rows0, acc.at[s_idx.at[CH_T - 1]], add=True)


def _v2e_body(xp_ref, pk_ref,
              esum_ref,
              vidx, eidx, rows0, rows1, sem0, sem1,
              e_acc):
    cid = lax.axis_index("c")
    sid = lax.axis_index("s")
    wid = cid * NS + sid

    pltpu.sync_copy(pk_ref.at[wid], eidx)
    _unpack_idx(vidx, eidx)

    def _fillz(r, _):
        for k in range(D // 16):
            rows0[r, pl.ds(16 * k, 16)] = jnp.zeros((16,), jnp.float32)
        return 0

    lax.fori_loop(0, KCH, _fillz, 0)
    for p in range(ME_T // KCH):
        pltpu.sync_copy(rows0, e_acc.at[pl.ds(sid * ME_T + p * KCH, KCH)])
    plsc.subcore_barrier()

    _pipelined_pairs(xp_ref, vidx, eidx, e_acc, rows0, rows1, sem0, sem1)
    plsc.subcore_barrier()

    sl_e = pl.ds(sid * ME_T, ME_T)
    pltpu.sync_copy(e_acc.at[sl_e], esum_ref.at[cid].at[sl_e])


@functools.lru_cache(maxsize=None)
def _v2e_kernel():
    return pl.kernel(
        _v2e_body,
        out_type=jax.ShapeDtypeStruct((NC, M_PAD, D), jnp.float32),
        mesh=_sc_mesh(),
        scratch_types=(
            pltpu.VMEM((CH_T, KCH), jnp.int32),
            pltpu.VMEM((CH_T, KCH), jnp.int32),
            pltpu.VMEM((KCH, D), jnp.float32),
            pltpu.VMEM((KCH, D), jnp.float32),
            pltpu.SemaphoreType.DMA,
            pltpu.SemaphoreType.DMA,
            pltpu.VMEM_SHARED((M_PAD, D), jnp.float32),
        ),
    )


def _emean_body(es_ref, ce_ref, y_ref):
    cnt = jnp.maximum(ce_ref[...], 1.0)
    y_ref[...] = (es_ref[0] + es_ref[1]) / cnt


def _edge_mean(esum, ce1):
    return pl.pallas_call(
        _emean_body,
        out_shape=jax.ShapeDtypeStruct((M_PAD, D), jnp.float32),
    )(esum, ce1)


def _e2v_body(y_ref, pk_ref,
              vsum_ref,
              pk, vr, er, rows0, rows1, sem0, sem1,
              v_acc):
    cid = lax.axis_index("c")
    sid = lax.axis_index("s")
    wid = cid * NS + sid

    pltpu.sync_copy(pk_ref.at[wid], pk)

    def _fillz(r, _):
        for k in range(D // 16):
            rows0[r, pl.ds(16 * k, 16)] = jnp.zeros((16,), jnp.float32)
        return 0

    lax.fori_loop(0, KCH, _fillz, 0)
    for p in range(640 // KCH):
        pltpu.sync_copy(rows0, v_acc.at[pl.ds(sid * 640 + p * KCH, KCH)])

    plsc.subcore_barrier()

    def unpack(j, s):
        for k in range(KCH // 16):
            sl = pl.ds(16 * k, 16)
            w = pk[j, sl]
            vr[s, sl] = lax.shift_right_logical(w, 12)
            er[s, sl] = lax.bitwise_and(w, 4095)

    def g(s, buf, sem):
        return pltpu.make_async_copy(y_ref.at[er.at[s]], buf, sem)

    unpack(0, 0)
    g(0, rows0, sem0).start()

    def body(i, _):
        j0 = 2 * i
        unpack(j0 + 1, 1)
        g(1, rows1, sem1).start()
        g(0, rows0, sem0).wait()
        pltpu.sync_copy(rows0, v_acc.at[vr.at[0]], add=True)
        unpack(j0 + 2, 0)
        g(0, rows0, sem0).start()
        g(1, rows1, sem1).wait()
        pltpu.sync_copy(rows1, v_acc.at[vr.at[1]], add=True)
        return 0

    lax.fori_loop(0, CH_T // 2, body, 0)
    g(0, rows0, sem0).wait()
    pltpu.sync_copy(rows0, v_acc.at[vr.at[0]], add=True)
    plsc.subcore_barrier()

    sl_v = pl.ds(sid * 640, 640)
    pltpu.sync_copy(v_acc.at[sl_v], vsum_ref.at[cid].at[sl_v])


@functools.lru_cache(maxsize=None)
def _e2v_kernel():
    return pl.kernel(
        _e2v_body,
        out_type=jax.ShapeDtypeStruct((NC, N_PAD, D), jnp.float32),
        mesh=_sc_mesh(),
        scratch_types=(
            pltpu.VMEM((CH_T, KCH), jnp.int32),
            pltpu.VMEM((2, KCH), jnp.int32),
            pltpu.VMEM((2, KCH), jnp.int32),
            pltpu.VMEM((KCH, D), jnp.float32),
            pltpu.VMEM((KCH, D), jnp.float32),
            pltpu.SemaphoreType.DMA,
            pltpu.SemaphoreType.DMA,
            pltpu.VMEM_SHARED((N_PAD, D), jnp.float32),
        ),
    )


def _vmean_body(vs_ref, cv_ref, o_ref):
    cnt = jnp.maximum(cv_ref[...], 1.0)
    o_ref[...] = jnp.maximum((vs_ref[0] + vs_ref[1]) / cnt, 0.0)


def _vertex_mean_relu(vsum, cv1):
    blk = 1000
    return pl.pallas_call(
        _vmean_body,
        grid=(N // blk,),
        in_specs=[
            pl.BlockSpec((NC, blk, D), lambda i: (0, i, 0)),
            pl.BlockSpec((blk, 1), lambda i: (i, 0)),
        ],
        out_specs=pl.BlockSpec((blk, D), lambda i: (i, 0)),
        out_shape=jax.ShapeDtypeStruct((N, D), jnp.float32),
    )(vsum, cv1)


@jax.jit
def kernel(X, vertex_idx, edge_idx, W, b):
    xp = _linear(X, W, b.reshape(1, D))
    pk = (vertex_idx * 4096 + edge_idx).reshape(NW, CH_T, KCH)
    esum = _v2e_kernel()(xp, pk)
    cv, ce = _counts(vertex_idx.reshape(CNB, 1, CB),
                     edge_idx.reshape(CNB, 1, CB))
    y = _edge_mean(esum, ce.reshape(M_PAD, 1))
    vsum = _e2v_kernel()(y, pk)
    return _vertex_mean_relu(vsum, cv.reshape(N_PAD, 1))

# --- scband reference (transcript-rebuilt; emitter-appended) ---
"""Pipeline reference for scband-hgnnpconv-31147102831212 (READ-ONLY COPY).

The authoritative reference and input builder live on the scoring server;
editing this copy changes nothing except your own understanding.
"""

import jax, jax.numpy as jnp
import numpy as np

N = 10000      # num vertices
M = 2500       # num hyperedges
NNZ = 320000   # incidence pairs
D_IN = 128
D_OUT = 128


def setup_inputs(seed: int = 0) -> dict:
    key = jax.random.key(seed)
    k1, k2, k3, k4, k5 = jax.random.split(key, 5)
    X = jax.random.normal(k1, (N, D_IN), dtype=jnp.float32)
    vertex_idx = jax.random.randint(k2, (NNZ,), 0, N, dtype=jnp.int32)
    edge_idx = jax.random.randint(k3, (NNZ,), 0, M, dtype=jnp.int32)
    # theta: Linear(in_channels=128, out_channels=128, bias=True)
    W = jax.random.normal(k4, (D_IN, D_OUT), dtype=jnp.float32) * (1.0 / np.sqrt(D_IN))
    b = jax.random.normal(k5, (D_OUT,), dtype=jnp.float32) * 0.01
    return {"X": X, "vertex_idx": vertex_idx, "edge_idx": edge_idx, "W": W, "b": b}


def reference(X, vertex_idx, edge_idx, W, b):
    # X = self.theta(X)
    Xp = X @ W + b
    # Y = hg.v2e(X, aggr='mean'): mean over incident vertices per hyperedge
    gathered_v = jnp.take(Xp, vertex_idx, axis=0)                     # [NNZ, D]
    e_sum = jax.ops.segment_sum(gathered_v, edge_idx, num_segments=M)  # [M, D]
    e_cnt = jax.ops.segment_sum(jnp.ones((NNZ,), jnp.float32), edge_idx, num_segments=M)
    Y = e_sum / jnp.maximum(e_cnt, 1.0)[:, None]
    # X_ = hg.e2v(Y, aggr='mean'): mean over incident hyperedges per vertex
    gathered_e = jnp.take(Y, edge_idx, axis=0)                        # [NNZ, D]
    v_sum = jax.ops.segment_sum(gathered_e, vertex_idx, num_segments=N)
    v_cnt = jax.ops.segment_sum(jnp.ones((NNZ,), jnp.float32), vertex_idx, num_segments=N)
    X_ = v_sum / jnp.maximum(v_cnt, 1.0)[:, None]
    # X_ = self.drop(self.act(X_)); drop_rate=0 and eval mode -> identity dropout
    return jax.nn.relu(X_)

if __name__ == "__main__":
    import jax
    _d = setup_inputs()
    print(jax.jit(kernel)(*tuple(_d.values())))

</pallas_src>

<mosaic_0001>
#map = affine_map<(d0, d1) -> (0, 0)>
#map1 = affine_map<(d0, d1) -> (0, 0, 0)>
module attributes {stable_mosaic.version = 14 : i64} {
  func.func @_e2v_body(%arg0: i32, %arg1: i32, %arg2: memref<2560x128xf32, #tpu.memory_space<hbm>>, %arg3: memref<32x125x80xi32, #tpu.memory_space<hbm>>, %arg4: memref<2x10240x128xf32, #tpu.memory_space<hbm>>, %arg5: memref<125x80xi32, #tpu.memory_space<vmem>>, %arg6: memref<2x80xi32, #tpu.memory_space<vmem>>, %arg7: memref<2x80xi32, #tpu.memory_space<vmem>>, %arg8: memref<80x128xf32, #tpu.memory_space<vmem>>, %arg9: memref<80x128xf32, #tpu.memory_space<vmem>>, %arg10: memref<!tpu.dma_semaphore, #tpu.memory_space<semaphore_mem>>, %arg11: memref<!tpu.dma_semaphore, #tpu.memory_space<semaphore_mem>>, %arg12: memref<10240x128xf32, #tpu.memory_space<vmem_shared>>) attributes {dimension_semantics = [#tpu.dimension_semantics<core_parallel>, #tpu.dimension_semantics<subcore_parallel>], iteration_bounds = array<i64: 2, 16>, scalar_prefetch = 0 : i64, scratch_operands = 8 : i64, tpu.core_type = #tpu.core_type<sc_vector_subcore>, window_params = [{transform_indices = #map}, {transform_indices = #map1}, {transform_indices = #map1}]} {
    %mul3A = arith.constant 16 : i32
    %mul3A_0 = arith.muli %arg0, %mul3A : i32
    %add3A = arith.addi %mul3A_0, %arg1 : i32
    "tpu.region"() ({
      %run_scoped3A_172 = tpu.sem_alloc : memref<!tpu.dma_semaphore, #tpu.memory_space<semaphore_mem>>
      %dma_start3A_173 = arith.constant 0 : i32
      %dma_start3A_174 = arith.constant 0 : i32
      %dma_start3A_175 = tpu.memref_slice %arg3[%add3A, %dma_start3A_173, %dma_start3A_174] : memref<32x125x80xi32, #tpu.memory_space<hbm>> -> memref<1x125x80xi32, #tpu.memory_space<hbm>>
      %dma_start3A_176 = tpu.memref_squeeze %dma_start3A_175 : memref<1x125x80xi32, #tpu.memory_space<hbm>> -> memref<125x80xi32, #tpu.memory_space<hbm>>
      %dma_start3A_177 = arith.constant 0 : i32
      %dma_start3A_178 = arith.constant 0 : i32
      %dma_start3A_179 = tpu.memref_slice %arg3[%add3A, %dma_start3A_177, %dma_start3A_178] : memref<32x125x80xi32, #tpu.memory_space<hbm>> -> memref<1x125x80xi32, #tpu.memory_space<hbm>>
      %dma_start3A_180 = tpu.memref_squeeze %dma_start3A_179 : memref<1x125x80xi32, #tpu.memory_space<hbm>> -> memref<125x80xi32, #tpu.memory_space<hbm>>
      tpu.enqueue_dma source(%dma_start3A_180 : memref<125x80xi32, #tpu.memory_space<hbm>>) target(%arg5 : memref<125x80xi32, #tpu.memory_space<vmem>>) target_semaphore(%run_scoped3A_172 : memref<!tpu.dma_semaphore, #tpu.memory_space<semaphore_mem>>)
      %dma_wait3A_181 = arith.constant 0 : i32
      %dma_wait3A_182 = arith.constant 0 : i32
      %dma_wait3A_183 = tpu.memref_slice %arg3[%add3A, %dma_wait3A_181, %dma_wait3A_182] : memref<32x125x80xi32, #tpu.memory_space<hbm>> -> memref<1x125x80xi32, #tpu.memory_space<hbm>>
      %dma_wait3A_184 = tpu.memref_squeeze %dma_wait3A_183 : memref<1x125x80xi32, #tpu.memory_space<hbm>> -> memref<125x80xi32, #tpu.memory_space<hbm>>
      %dma_wait3A_185 = arith.constant 0 : i32
      %dma_wait3A_186 = arith.constant 0 : i32
      %dma_wait3A_187 = tpu.memref_slice %arg3[%add3A, %dma_wait3A_185, %dma_wait3A_186] : memref<32x125x80xi32, #tpu.memory_space<hbm>> -> memref<1x125x80xi32, #tpu.memory_space<hbm>>
      %dma_wait3A_188 = tpu.memref_squeeze %dma_wait3A_187 : memref<1x125x80xi32, #tpu.memory_space<hbm>> -> memref<125x80xi32, #tpu.memory_space<hbm>>
      tpu.wait_dma2 semaphore(%run_scoped3A_172 : memref<!tpu.dma_semaphore, #tpu.memory_space<semaphore_mem>>) src(%dma_wait3A_188 : memref<125x80xi32, #tpu.memory_space<hbm>>) dst(%arg5 : memref<125x80xi32, #tpu.memory_space<vmem>>)
      tpu.yield
    }) : () -> ()
    %scan3A = arith.constant 0 : i32
    %scan3A_1 = arith.constant 0 : i32
    %scan3A_2 = arith.constant 80 : i32
    %scan3A_3 = arith.addi %scan3A_1, %scan3A_2 : i32
    %scan3A_4 = arith.constant 1 : i32
    %scan3A_5 = scf.for %scan3A_172 = %scan3A_1 to %scan3A_3 step %scan3A_4 iter_args(%scan3A_173 = %scan3A) -> (i32)  : i32 {
      %broadcast_in_dim3A = arith.constant 0.000000e+00 : f32
      %broadcast_in_dim3A_174 = vector.broadcast %broadcast_in_dim3A : f32 to vector<16xf32>
      %swap3A_175 = arith.index_cast %scan3A_172 : i32 to index
      %swap3A_176 = arith.constant 0 : index
      %swap3A_177 = tpu.vector_load %arg8[%swap3A_175, %swap3A_176] {strides = array<i32>} : memref<80x128xf32, #tpu.memory_space<vmem>>, vector<1x16xf32>,
      %swap3A_178 = vector.shape_cast %swap3A_177 : vector<1x16xf32> to vector<16xf32>
      %swap3A_179 = vector.shape_cast %broadcast_in_dim3A_174 : vector<16xf32> to vector<1x16xf32>
      tpu.vector_store %arg8[%swap3A_175, %swap3A_176], %swap3A_179 {strides = array<i32>} : memref<80x128xf32, #tpu.memory_space<vmem>>, vector<1x16xf32>,
      %broadcast_in_dim3A_180 = arith.constant 0.000000e+00 : f32
      %broadcast_in_dim3A_181 = vector.broadcast %broadcast_in_dim3A_180 : f32 to vector<16xf32>
      %swap3A_182 = arith.index_cast %scan3A_172 : i32 to index
      %swap3A_183 = arith.constant 16 : index
      %swap3A_184 = tpu.vector_load %arg8[%swap3A_182, %swap3A_183] {strides = array<i32>} : memref<80x128xf32, #tpu.memory_space<vmem>>, vector<1x16xf32>,
      %swap3A_185 = vector.shape_cast %swap3A_184 : vector<1x16xf32> to vector<16xf32>
      %swap3A_186 = vector.shape_cast %broadcast_in_dim3A_181 : vector<16xf32> to vector<1x16xf32>
      tpu.vector_store %arg8[%swap3A_182, %swap3A_183], %swap3A_186 {strides = array<i32>} : memref<80x128xf32, #tpu.memory_space<vmem>>, vector<1x16xf32>,
      %broadcast_in_dim3A_187 = arith.constant 0.000000e+00 : f32
      %broadcast_in_dim3A_188 = vector.broadcast %broadcast_in_dim3A_187 : f32 to vector<16xf32>
      %swap3A_189 = arith.index_cast %scan3A_172 : i32 to index
      %swap3A_190 = arith.constant 32 : index
      %swap3A_191 = tpu.vector_load %arg8[%swap3A_189, %swap3A_190] {strides = array<i32>} : memref<80x128xf32, #tpu.memory_space<vmem>>, vector<1x16xf32>,
      %swap3A_192 = vector.shape_cast %swap3A_191 : vector<1x16xf32> to vector<16xf32>
      %swap3A_193 = vector.shape_cast %broadcast_in_dim3A_188 : vector<16xf32> to vector<1x16xf32>
      tpu.vector_store %arg8[%swap3A_189, %swap3A_190], %swap3A_193 {strides = array<i32>} : memref<80x128xf32, #tpu.memory_space<vmem>>, vector<1x16xf32>,
      %broadcast_in_dim3A_194 = arith.constant 0.000000e+00 : f32
      %broadcast_in_dim3A_195 = vector.broadcast %broadcast_in_dim3A_194 : f32 to vector<16xf32>
      %swap3A_196 = arith.index_cast %scan3A_172 : i32 to index
      %swap3A_197 = arith.constant 48 : index
      %swap3A_198 = tpu.vector_load %arg8[%swap3A_196, %swap3A_197] {strides = array<i32>} : memref<80x128xf32, #tpu.memory_space<vmem>>, vector<1x16xf32>,
      %swap3A_199 = vector.shape_cast %swap3A_198 : vector<1x16xf32> to vector<16xf32>
      %swap3A_200 = vector.shape_cast %broadcast_in_dim3A_195 : vector<16xf32> to vector<1x16xf32>
      tpu.vector_store %arg8[%swap3A_196, %swap3A_197], %swap3A_200 {strides = array<i32>} : memref<80x128xf32, #tpu.memory_space<vmem>>, vector<1x16xf32>,
      %broadcast_in_dim3A_201 = arith.constant 0.000000e+00 : f32
      %broadcast_in_dim3A_202 = vector.broadcast %broadcast_in_dim3A_201 : f32 to vector<16xf32>
      %swap3A_203 = arith.index_cast %scan3A_172 : i32 to index
      %swap3A_204 = arith.constant 64 : index
      %swap3A_205 = tpu.vector_load %arg8[%swap3A_203, %swap3A_204] {strides = array<i32>} : memref<80x128xf32, #tpu.memory_space<vmem>>, vector<1x16xf32>,
      %swap3A_206 = vector.shape_cast %swap3A_205 : vector<1x16xf32> to vector<16xf32>
      %swap3A_207 = vector.shape_cast %broadcast_in_dim3A_202 : vector<16xf32> to vector<1x16xf32>
      tpu.vector_store %arg8[%swap3A_203, %swap3A_204], %swap3A_207 {strides = array<i32>} : memref<80x128xf32, #tpu.memory_space<vmem>>, vector<1x16xf32>,
      %broadcast_in_dim3A_208 = arith.constant 0.000000e+00 : f32
      %broadcast_in_dim3A_209 = vector.broadcast %broadcast_in_dim3A_208 : f32 to vector<16xf32>
      %swap3A_210 = arith.index_cast %scan3A_172 : i32 to index
      %swap3A_211 = arith.constant 80 : index
      %swap3A_212 = tpu.vector_load %arg8[%swap3A_210, %swap3A_211] {strides = array<i32>} : memref<80x128xf32, #tpu.memory_space<vmem>>, vector<1x16xf32>,
      %swap3A_213 = vector.shape_cast %swap3A_212 : vector<1x16xf32> to vector<16xf32>
      %swap3A_214 = vector.shape_cast %broadcast_in_dim3A_209 : vector<16xf32> to vector<1x16xf32>
      tpu.vector_store %arg8[%swap3A_210, %swap3A_211], %swap3A_214 {strides = array<i32>} : memref<80x128xf32, #tpu.memory_space<vmem>>, vector<1x16xf32>,
      %broadcast_in_dim3A_215 = arith.constant 0.000000e+00 : f32
      %broadcast_in_dim3A_216 = vector.broadcast %broadcast_in_dim3A_215 : f32 to vector<16xf32>
      %swap3A_217 = arith.index_cast %scan3A_172 : i32 to index
      %swap3A_218 = arith.constant 96 : index
      %swap3A_219 = tpu.vector_load %arg8[%swap3A_217, %swap3A_218] {strides = array<i32>} : memref<80x128xf32, #tpu.memory_space<vmem>>, vector<1x16xf32>,
      %swap3A_220 = vector.shape_cast %swap3A_219 : vector<1x16xf32> to vector<16xf32>
      %swap3A_221 = vector.shape_cast %broadcast_in_dim3A_216 : vector<16xf32> to vector<1x16xf32>
      tpu.vector_store %arg8[%swap3A_217, %swap3A_218], %swap3A_221 {strides = array<i32>} : memref<80x128xf32, #tpu.memory_space<vmem>>, vector<1x16xf32>,
      %broadcast_in_dim3A_222 = arith.constant 0.000000e+00 : f32
      %broadcast_in_dim3A_223 = vector.broadcast %broadcast_in_dim3A_222 : f32 to vector<16xf32>
      %swap3A_224 = arith.index_cast %scan3A_172 : i32 to index
      %swap3A_225 = arith.constant 112 : index
      %swap3A_226 = tpu.vector_load %arg8[%swap3A_224, %swap3A_225] {strides = array<i32>} : memref<80x128xf32, #tpu.memory_space<vmem>>, vector<1x16xf32>,
      %swap3A_227 = vector.shape_cast %swap3A_226 : vector<1x16xf32> to vector<16xf32>
      %swap3A_228 = vector.shape_cast %broadcast_in_dim3A_223 : vector<16xf32> to vector<1x16xf32>
      tpu.vector_store %arg8[%swap3A_224, %swap3A_225], %swap3A_228 {strides = array<i32>} : memref<80x128xf32, #tpu.memory_space<vmem>>, vector<1x16xf32>,
      %scan3A_229 = arith.constant 0 : i32
      scf.yield %scan3A_229 : i32
    }
    %scan3A_6 = arith.constant 80 : i32
    %mul3A_7 = arith.constant 640 : i32
    %mul3A_8 = arith.muli %arg1, %mul3A_7 : i32
    %add3A_9 = arith.constant 0 : i32
    %add3A_10 = arith.addi %mul3A_8, %add3A_9 : i32
    "tpu.region"() ({
      %run_scoped3A_172 = tpu.sem_alloc : memref<!tpu.dma_semaphore, #tpu.memory_space<semaphore_mem>>
      %dma_start3A_173 = arith.constant 0 : i32
      %dma_start3A_174 = tpu.memref_slice %arg12[%add3A_10, %dma_start3A_173] : memref<10240x128xf32, #tpu.memory_space<vmem_shared>> -> memref<80x128xf32, #tpu.memory_space<vmem_shared>>
      %dma_start3A_175 = arith.constant 0 : i32
      %dma_start3A_176 = tpu.memref_slice %arg12[%add3A_10, %dma_start3A_175] : memref<10240x128xf32, #tpu.memory_space<vmem_shared>> -> memref<80x128xf32, #tpu.memory_space<vmem_shared>>
      tpu.enqueue_dma source(%arg8 : memref<80x128xf32, #tpu.memory_space<vmem>>) target(%dma_start3A_176 : memref<80x128xf32, #tpu.memory_space<vmem_shared>>) target_semaphore(%run_scoped3A_172 : memref<!tpu.dma_semaphore, #tpu.memory_space<semaphore_mem>>)
      %dma_wait3A_177 = arith.constant 0 : i32
      %dma_wait3A_178 = tpu.memref_slice %arg12[%add3A_10, %dma_wait3A_177] : memref<10240x128xf32, #tpu.memory_space<vmem_shared>> -> memref<80x128xf32, #tpu.memory_space<vmem_shared>>
      %dma_wait3A_179 = arith.constant 0 : i32
      %dma_wait3A_180 = tpu.memref_slice %arg12[%add3A_10, %dma_wait3A_179] : memref<10240x128xf32, #tpu.memory_space<vmem_shared>> -> memref<80x128xf32, #tpu.memory_space<vmem_shared>>
      tpu.wait_dma2 semaphore(%run_scoped3A_172 : memref<!tpu.dma_semaphore, #tpu.memory_space<semaphore_mem>>) src(%arg8 : memref<80x128xf32, #tpu.memory_space<vmem>>) dst(%dma_wait3A_180 : memref<80x128xf32, #tpu.memory_space<vmem_shared>>)
      tpu.yield
    }) : () -> ()
    %mul3A_11 = arith.constant 640 : i32
    %mul3A_12 = arith.muli %arg1, %mul3A_11 : i32
    %add3A_13 = arith.constant 80 : i32
    %add3A_14 = arith.addi %mul3A_12, %add3A_13 : i32
    "tpu.region"() ({
      %run_scoped3A_172 = tpu.sem_alloc : memref<!tpu.dma_semaphore, #tpu.memory_space<semaphore_mem>>
      %dma_start3A_173 = arith.constant 0 : i32
      %dma_start3A_174 = tpu.memref_slice %arg12[%add3A_14, %dma_start3A_173] : memref<10240x128xf32, #tpu.memory_space<vmem_shared>> -> memref<80x128xf32, #tpu.memory_space<vmem_shared>>
      %dma_start3A_175 = arith.constant 0 : i32
      %dma_start3A_176 = tpu.memref_slice %arg12[%add3A_14, %dma_start3A_175] : memref<10240x128xf32, #tpu.memory_space<vmem_shared>> -> memref<80x128xf32, #tpu.memory_space<vmem_shared>>
      tpu.enqueue_dma source(%arg8 : memref<80x128xf32, #tpu.memory_space<vmem>>) target(%dma_start3A_176 : memref<80x128xf32, #tpu.memory_space<vmem_shared>>) target_semaphore(%run_scoped3A_172 : memref<!tpu.dma_semaphore, #tpu.memory_space<semaphore_mem>>)
      %dma_wait3A_177 = arith.constant 0 : i32
      %dma_wait3A_178 = tpu.memref_slice %arg12[%add3A_14, %dma_wait3A_177] : memref<10240x128xf32, #tpu.memory_space<vmem_shared>> -> memref<80x128xf32, #tpu.memory_space<vmem_shared>>
      %dma_wait3A_179 = arith.constant 0 : i32
      %dma_wait3A_180 = tpu.memref_slice %arg12[%add3A_14, %dma_wait3A_179] : memref<10240x128xf32, #tpu.memory_space<vmem_shared>> -> memref<80x128xf32, #tpu.memory_space<vmem_shared>>
      tpu.wait_dma2 semaphore(%run_scoped3A_172 : memref<!tpu.dma_semaphore, #tpu.memory_space<semaphore_mem>>) src(%arg8 : memref<80x128xf32, #tpu.memory_space<vmem>>) dst(%dma_wait3A_180 : memref<80x128xf32, #tpu.memory_space<vmem_shared>>)
      tpu.yield
    }) : () -> ()
    %mul3A_15 = arith.constant 640 : i32
    %mul3A_16 = arith.muli %arg1, %mul3A_15 : i32
    %add3A_17 = arith.constant 160 : i32
    %add3A_18 = arith.addi %mul3A_16, %add3A_17 : i32
    "tpu.region"() ({
      %run_scoped3A_172 = tpu.sem_alloc : memref<!tpu.dma_semaphore, #tpu.memory_space<semaphore_mem>>
      %dma_start3A_173 = arith.constant 0 : i32
      %dma_start3A_174 = tpu.memref_slice %arg12[%add3A_18, %dma_start3A_173] : memref<10240x128xf32, #tpu.memory_space<vmem_shared>> -> memref<80x128xf32, #tpu.memory_space<vmem_shared>>
      %dma_start3A_175 = arith.constant 0 : i32
      %dma_start3A_176 = tpu.memref_slice %arg12[%add3A_18, %dma_start3A_175] : memref<10240x128xf32, #tpu.memory_space<vmem_shared>> -> memref<80x128xf32, #tpu.memory_space<vmem_shared>>
      tpu.enqueue_dma source(%arg8 : memref<80x128xf32, #tpu.memory_space<vmem>>) target(%dma_start3A_176 : memref<80x128xf32, #tpu.memory_space<vmem_shared>>) target_semaphore(%run_scoped3A_172 : memref<!tpu.dma_semaphore, #tpu.memory_space<semaphore_mem>>)
      %dma_wait3A_177 = arith.constant 0 : i32
      %dma_wait3A_178 = tpu.memref_slice %arg12[%add3A_18, %dma_wait3A_177] : memref<10240x128xf32, #tpu.memory_space<vmem_shared>> -> memref<80x128xf32, #tpu.memory_space<vmem_shared>>
      %dma_wait3A_179 = arith.constant 0 : i32
      %dma_wait3A_180 = tpu.memref_slice %arg12[%add3A_18, %dma_wait3A_179] : memref<10240x128xf32, #tpu.memory_space<vmem_shared>> -> memref<80x128xf32, #tpu.memory_space<vmem_shared>>
      tpu.wait_dma2 semaphore(%run_scoped3A_172 : memref<!tpu.dma_semaphore, #tpu.memory_space<semaphore_mem>>) src(%arg8 : memref<80x128xf32, #tpu.memory_space<vmem>>) dst(%dma_wait3A_180 : memref<80x128xf32, #tpu.memory_space<vmem_shared>>)
      tpu.yield
    }) : () -> ()
    %mul3A_19 = arith.constant 640 : i32
    %mul3A_20 = arith.muli %arg1, %mul3A_19 : i32
    %add3A_21 = arith.constant 240 : i32
    %add3A_22 = arith.addi %mul3A_20, %add3A_21 : i32
    "tpu.region"() ({
      %run_scoped3A_172 = tpu.sem_alloc : memref<!tpu.dma_semaphore, #tpu.memory_space<semaphore_mem>>
      %dma_start3A_173 = arith.constant 0 : i32
      %dma_start3A_174 = tpu.memref_slice %arg12[%add3A_22, %dma_start3A_173] : memref<10240x128xf32, #tpu.memory_space<vmem_shared>> -> memref<80x128xf32, #tpu.memory_space<vmem_shared>>
      %dma_start3A_175 = arith.constant 0 : i32
      %dma_start3A_176 = tpu.memref_slice %arg12[%add3A_22, %dma_start3A_175] : memref<10240x128xf32, #tpu.memory_space<vmem_shared>> -> memref<80x128xf32, #tpu.memory_space<vmem_shared>>
      tpu.enqueue_dma source(%arg8 : memref<80x128xf32, #tpu.memory_space<vmem>>) target(%dma_start3A_176 : memref<80x128xf32, #tpu.memory_space<vmem_shared>>) target_semaphore(%run_scoped3A_172 : memref<!tpu.dma_semaphore, #tpu.memory_space<semaphore_mem>>)
      %dma_wait3A_177 = arith.constant 0 : i32
      %dma_wait3A_178 = tpu.memref_slice %arg12[%add3A_22, %dma_wait3A_177] : memref<10240x128xf32, #tpu.memory_space<vmem_shared>> -> memref<80x128xf32, #tpu.memory_space<vmem_shared>>
      %dma_wait3A_179 = arith.constant 0 : i32
      %dma_wait3A_180 = tpu.memref_slice %arg12[%add3A_22, %dma_wait3A_179] : memref<10240x128xf32, #tpu.memory_space<vmem_shared>> -> memref<80x128xf32, #tpu.memory_space<vmem_shared>>
      tpu.wait_dma2 semaphore(%run_scoped3A_172 : memref<!tpu.dma_semaphore, #tpu.memory_space<semaphore_mem>>) src(%arg8 : memref<80x128xf32, #tpu.memory_space<vmem>>) dst(%dma_wait3A_180 : memref<80x128xf32, #tpu.memory_space<vmem_shared>>)
      tpu.yield
    }) : () -> ()
    %mul3A_23 = arith.constant 640 : i32
    %mul3A_24 = arith.muli %arg1, %mul3A_23 : i32
    %add3A_25 = arith.constant 320 : i32
    %add3A_26 = arith.addi %mul3A_24, %add3A_25 : i32
    "tpu.region"() ({
      %run_scoped3A_172 = tpu.sem_alloc : memref<!tpu.dma_semaphore, #tpu.memory_space<semaphore_mem>>
      %dma_start3A_173 = arith.constant 0 : i32
      %dma_start3A_174 = tpu.memref_slice %arg12[%add3A_26, %dma_start3A_173] : memref<10240x128xf32, #tpu.memory_space<vmem_shared>> -> memref<80x128xf32, #tpu.memory_space<vmem_shared>>
      %dma_start3A_175 = arith.constant 0 : i32
      %dma_start3A_176 = tpu.memref_slice %arg12[%add3A_26, %dma_start3A_175] : memref<10240x128xf32, #tpu.memory_space<vmem_shared>> -> memref<80x128xf32, #tpu.memory_space<vmem_shared>>
      tpu.enqueue_dma source(%arg8 : memref<80x128xf32, #tpu.memory_space<vmem>>) target(%dma_start3A_176 : memref<80x128xf32, #tpu.memory_space<vmem_shared>>) target_semaphore(%run_scoped3A_172 : memref<!tpu.dma_semaphore, #tpu.memory_space<semaphore_mem>>)
      %dma_wait3A_177 = arith.constant 0 : i32
      %dma_wait3A_178 = tpu.memref_slice %arg12[%add3A_26, %dma_wait3A_177] : memref<10240x128xf32, #tpu.memory_space<vmem_shared>> -> memref<80x128xf32, #tpu.memory_space<vmem_shared>>
      %dma_wait3A_179 = arith.constant 0 : i32
      %dma_wait3A_180 = tpu.memref_slice %arg12[%add3A_26, %dma_wait3A_179] : memref<10240x128xf32, #tpu.memory_space<vmem_shared>> -> memref<80x128xf32, #tpu.memory_space<vmem_shared>>
      tpu.wait_dma2 semaphore(%run_scoped3A_172 : memref<!tpu.dma_semaphore, #tpu.memory_space<semaphore_mem>>) src(%arg8 : memref<80x128xf32, #tpu.memory_space<vmem>>) dst(%dma_wait3A_180 : memref<80x128xf32, #tpu.memory_space<vmem_shared>>)
      tpu.yield
    }) : () -> ()
    %mul3A_27 = arith.constant 640 : i32
    %mul3A_28 = arith.muli %arg1, %mul3A_27 : i32
    %add3A_29 = arith.constant 400 : i32
    %add3A_30 = arith.addi %mul3A_28, %add3A_29 : i32
    "tpu.region"() ({
      %run_scoped3A_172 = tpu.sem_alloc : memref<!tpu.dma_semaphore, #tpu.memory_space<semaphore_mem>>
      %dma_start3A_173 = arith.constant 0 : i32
      %dma_start3A_174 = tpu.memref_slice %arg12[%add3A_30, %dma_start3A_173] : memref<10240x128xf32, #tpu.memory_space<vmem_shared>> -> memref<80x128xf32, #tpu.memory_space<vmem_shared>>
      %dma_start3A_175 = arith.constant 0 : i32
      %dma_start3A_176 = tpu.memref_slice %arg12[%add3A_30, %dma_start3A_175] : memref<10240x128xf32, #tpu.memory_space<vmem_shared>> -> memref<80x128xf32, #tpu.memory_space<vmem_shared>>
      tpu.enqueue_dma source(%arg8 : memref<80x128xf32, #tpu.memory_space<vmem>>) target(%dma_start3A_176 : memref<80x128xf32, #tpu.memory_space<vmem_shared>>) target_semaphore(%run_scoped3A_172 : memref<!tpu.dma_semaphore, #tpu.memory_space<semaphore_mem>>)
      %dma_wait3A_177 = arith.constant 0 : i32
      %dma_wait3A_178 = tpu.memref_slice %arg12[%add3A_30, %dma_wait3A_177] : memref<10240x128xf32, #tpu.memory_space<vmem_shared>> -> memref<80x128xf32, #tpu.memory_space<vmem_shared>>
      %dma_wait3A_179 = arith.constant 0 : i32
      %dma_wait3A_180 = tpu.memref_slice %arg12[%add3A_30, %dma_wait3A_179] : memref<10240x128xf32, #tpu.memory_space<vmem_shared>> -> memref<80x128xf32, #tpu.memory_space<vmem_shared>>
      tpu.wait_dma2 semaphore(%run_scoped3A_172 : memref<!tpu.dma_semaphore, #tpu.memory_space<semaphore_mem>>) src(%arg8 : memref<80x128xf32, #tpu.memory_space<vmem>>) dst(%dma_wait3A_180 : memref<80x128xf32, #tpu.memory_space<vmem_shared>>)
      tpu.yield
    }) : () -> ()
    %mul3A_31 = arith.constant 640 : i32
    %mul3A_32 = arith.muli %arg1, %mul3A_31 : i32
    %add3A_33 = arith.constant 480 : i32
    %add3A_34 = arith.addi %mul3A_32, %add3A_33 : i32
    "tpu.region"() ({
      %run_scoped3A_172 = tpu.sem_alloc : memref<!tpu.dma_semaphore, #tpu.memory_space<semaphore_mem>>
      %dma_start3A_173 = arith.constant 0 : i32
      %dma_start3A_174 = tpu.memref_slice %arg12[%add3A_34, %dma_start3A_173] : memref<10240x128xf32, #tpu.memory_space<vmem_shared>> -> memref<80x128xf32, #tpu.memory_space<vmem_shared>>
      %dma_start3A_175 = arith.constant 0 : i32
      %dma_start3A_176 = tpu.memref_slice %arg12[%add3A_34, %dma_start3A_175] : memref<10240x128xf32, #tpu.memory_space<vmem_shared>> -> memref<80x128xf32, #tpu.memory_space<vmem_shared>>
      tpu.enqueue_dma source(%arg8 : memref<80x128xf32, #tpu.memory_space<vmem>>) target(%dma_start3A_176 : memref<80x128xf32, #tpu.memory_space<vmem_shared>>) target_semaphore(%run_scoped3A_172 : memref<!tpu.dma_semaphore, #tpu.memory_space<semaphore_mem>>)
      %dma_wait3A_177 = arith.constant 0 : i32
      %dma_wait3A_178 = tpu.memref_slice %arg12[%add3A_34, %dma_wait3A_177] : memref<10240x128xf32, #tpu.memory_space<vmem_shared>> -> memref<80x128xf32, #tpu.memory_space<vmem_shared>>
      %dma_wait3A_179 = arith.constant 0 : i32
      %dma_wait3A_180 = tpu.memref_slice %arg12[%add3A_34, %dma_wait3A_179] : memref<10240x128xf32, #tpu.memory_space<vmem_shared>> -> memref<80x128xf32, #tpu.memory_space<vmem_shared>>
      tpu.wait_dma2 semaphore(%run_scoped3A_172 : memref<!tpu.dma_semaphore, #tpu.memory_space<semaphore_mem>>) src(%arg8 : memref<80x128xf32, #tpu.memory_space<vmem>>) dst(%dma_wait3A_180 : memref<80x128xf32, #tpu.memory_space<vmem_shared>>)
      tpu.yield
    }) : () -> ()
    %mul3A_35 = arith.constant 640 : i32
    %mul3A_36 = arith.muli %arg1, %mul3A_35 : i32
    %add3A_37 = arith.constant 560 : i32
    %add3A_38 = arith.addi %mul3A_36, %add3A_37 : i32
    "tpu.region"() ({
      %run_scoped3A_172 = tpu.sem_alloc : memref<!tpu.dma_semaphore, #tpu.memory_space<semaphore_mem>>
      %dma_start3A_173 = arith.constant 0 : i32
      %dma_start3A_174 = tpu.memref_slice %arg12[%add3A_38, %dma_start3A_173] : memref<10240x128xf32, #tpu.memory_space<vmem_shared>> -> memref<80x128xf32, #tpu.memory_space<vmem_shared>>
      %dma_start3A_175 = arith.constant 0 : i32
      %dma_start3A_176 = tpu.memref_slice %arg12[%add3A_38, %dma_start3A_175] : memref<10240x128xf32, #tpu.memory_space<vmem_shared>> -> memref<80x128xf32, #tpu.memory_space<vmem_shared>>
      tpu.enqueue_dma source(%arg8 : memref<80x128xf32, #tpu.memory_space<vmem>>) target(%dma_start3A_176 : memref<80x128xf32, #tpu.memory_space<vmem_shared>>) target_semaphore(%run_scoped3A_172 : memref<!tpu.dma_semaphore, #tpu.memory_space<semaphore_mem>>)
      %dma_wait3A_177 = arith.constant 0 : i32
      %dma_wait3A_178 = tpu.memref_slice %arg12[%add3A_38, %dma_wait3A_177] : memref<10240x128xf32, #tpu.memory_space<vmem_shared>> -> memref<80x128xf32, #tpu.memory_space<vmem_shared>>
      %dma_wait3A_179 = arith.constant 0 : i32
      %dma_wait3A_180 = tpu.memref_slice %arg12[%add3A_38, %dma_wait3A_179] : memref<10240x128xf32, #tpu.memory_space<vmem_shared>> -> memref<80x128xf32, #tpu.memory_space<vmem_shared>>
      tpu.wait_dma2 semaphore(%run_scoped3A_172 : memref<!tpu.dma_semaphore, #tpu.memory_space<semaphore_mem>>) src(%arg8 : memref<80x128xf32, #tpu.memory_space<vmem>>) dst(%dma_wait3A_180 : memref<80x128xf32, #tpu.memory_space<vmem_shared>>)
      tpu.yield
    }) : () -> ()
    %barrier3A = arith.constant 0 : index
    tpu.barrier barrier_id(%barrier3A)
    %get3A = arith.constant 0 : i32
    %get3A_39 = arith.index_cast %get3A : i32 to index
    %get3A_40 = arith.constant 0 : index
    %get3A_41 = tpu.vector_load %arg5[%get3A_39, %get3A_40] {strides = array<i32>} : memref<125x80xi32, #tpu.memory_space<vmem>>, vector<1x16xi32>,
    %get3A_42 = vector.shape_cast %get3A_41 : vector<1x16xi32> to vector<16xi32>
    %shift_right_logical3A = arith.constant 12 : i32
    %shift_right_logical3A_43 = vector.broadcast %shift_right_logical3A : i32 to vector<16xi32>
    %shift_right_logical3A_44 = arith.shrui %get3A_42, %shift_right_logical3A_43 : vector<16xi32>
    %swap3A = arith.constant 0 : i32
    %swap3A_45 = arith.index_cast %swap3A : i32 to index
    %swap3A_46 = arith.constant 0 : index
    %swap3A_47 = tpu.vector_load %arg6[%swap3A_45, %swap3A_46] {strides = array<i32>} : memref<2x80xi32, #tpu.memory_space<vmem>>, vector<1x16xi32>,
    %swap3A_48 = vector.shape_cast %swap3A_47 : vector<1x16xi32> to vector<16xi32>
    %swap3A_49 = vector.shape_cast %shift_right_logical3A_44 : vector<16xi32> to vector<1x16xi32>
    tpu.vector_store %arg6[%swap3A_45, %swap3A_46], %swap3A_49 {strides = array<i32>} : memref<2x80xi32, #tpu.memory_space<vmem>>, vector<1x16xi32>,
    %and3A = arith.constant 4095 : i32
    %and3A_50 = vector.broadcast %and3A : i32 to vector<16xi32>
    %and3A_51 = arith.andi %get3A_42, %and3A_50 : vector<16xi32>
    %swap3A_52 = arith.constant 0 : i32
    %swap3A_53 = arith.index_cast %swap3A_52 : i32 to index
    %swap3A_54 = arith.constant 0 : index
    %swap3A_55 = tpu.vector_load %arg7[%swap3A_53, %swap3A_54] {strides = array<i32>} : memref<2x80xi32, #tpu.memory_space<vmem>>, vector<1x16xi32>,
    %swap3A_56 = vector.shape_cast %swap3A_55 : vector<1x16xi32> to vector<16xi32>
    %swap3A_57 = vector.shape_cast %and3A_51 : vector<16xi32> to vector<1x16xi32>
    tpu.vector_store %arg7[%swap3A_53, %swap3A_54], %swap3A_57 {strides = array<i32>} : memref<2x80xi32, #tpu.memory_space<vmem>>, vector<1x16xi32>,
    %get3A_58 = arith.constant 0 : i32
    %get3A_59 = arith.index_cast %get3A_58 : i32 to index
    %get3A_60 = arith.constant 16 : index
    %get3A_61 = tpu.vector_load %arg5[%get3A_59, %get3A_60] {strides = array<i32>} : memref<125x80xi32, #tpu.memory_space<vmem>>, vector<1x16xi32>,
    %get3A_62 = vector.shape_cast %get3A_61 : vector<1x16xi32> to vector<16xi32>
    %shift_right_logical3A_63 = arith.constant 12 : i32
    %shift_right_logical3A_64 = vector.broadcast %shift_right_logical3A_63 : i32 to vector<16xi32>
    %shift_right_logical3A_65 = arith.shrui %get3A_62, %shift_right_logical3A_64 : vector<16xi32>
    %swap3A_66 = arith.constant 0 : i32
    %swap3A_67 = arith.index_cast %swap3A_66 : i32 to index
    %swap3A_68 = arith.constant 16 : index
    %swap3A_69 = tpu.vector_load %arg6[%swap3A_67, %swap3A_68] {strides = array<i32>} : memref<2x80xi32, #tpu.memory_space<vmem>>, vector<1x16xi32>,
    %swap3A_70 = vector.shape_cast %swap3A_69 : vector<1x16xi32> to vector<16xi32>
    %swap3A_71 = vector.shape_cast %shift_right_logical3A_65 : vector<16xi32> to vector<1x16xi32>
    tpu.vector_store %arg6[%swap3A_67, %swap3A_68], %swap3A_71 {strides = array<i32>} : memref<2x80xi32, #tpu.memory_space<vmem>>, vector<1x16xi32>,
    %and3A_72 = arith.constant 4095 : i32
    %and3A_73 = vector.broadcast %and3A_72 : i32 to vector<16xi32>
    %and3A_74 = arith.andi %get3A_62, %and3A_73 : vector<16xi32>
    %swap3A_75 = arith.constant 0 : i32
    %swap3A_76 = arith.index_cast %swap3A_75 : i32 to index
    %swap3A_77 = arith.constant 16 : index
    %swap3A_78 = tpu.vector_load %arg7[%swap3A_76, %swap3A_77] {strides = array<i32>} : memref<2x80xi32, #tpu.memory_space<vmem>>, vector<1x16xi32>,
    %swap3A_79 = vector.shape_cast %swap3A_78 : vector<1x16xi32> to vector<16xi32>
    %swap3A_80 = vector.shape_cast %and3A_74 : vector<16xi32> to vector<1x16xi32>
    tpu.vector_store %arg7[%swap3A_76, %swap3A_77], %swap3A_80 {strides = array<i32>} : memref<2x80xi32, #tpu.memory_space<vmem>>, vector<1x16xi32>,
    %get3A_81 = arith.constant 0 : i32
    %get3A_82 = arith.index_cast %get3A_81 : i32 to index
    %get3A_83 = arith.constant 32 : index
    %get3A_84 = tpu.vector_load %arg5[%get3A_82, %get3A_83] {strides = array<i32>} : memref<125x80xi32, #tpu.memory_space<vmem>>, vector<1x16xi32>,
    %get3A_85 = vector.shape_cast %get3A_84 : vector<1x16xi32> to vector<16xi32>
    %shift_right_logical3A_86 = arith.constant 12 : i32
    %shift_right_logical3A_87 = vector.broadcast %shift_right_logical3A_86 : i32 to vector<16xi32>
    %shift_right_logical3A_88 = arith.shrui %get3A_85, %shift_right_logical3A_87 : vector<16xi32>
    %swap3A_89 = arith.constant 0 : i32
    %swap3A_90 = arith.index_cast %swap3A_89 : i32 to index
    %swap3A_91 = arith.constant 32 : index
    %swap3A_92 = tpu.vector_load %arg6[%swap3A_90, %swap3A_91] {strides = array<i32>} : memref<2x80xi32, #tpu.memory_space<vmem>>, vector<1x16xi32>,
    %swap3A_93 = vector.shape_cast %swap3A_92 : vector<1x16xi32> to vector<16xi32>
    %swap3A_94 = vector.shape_cast %shift_right_logical3A_88 : vector<16xi32> to vector<1x16xi32>
    tpu.vector_store %arg6[%swap3A_90, %swap3A_91], %swap3A_94 {strides = array<i32>} : memref<2x80xi32, #tpu.memory_space<vmem>>, vector<1x16xi32>,
    %and3A_95 = arith.constant 4095 : i32
    %and3A_96 = vector.broadcast %and3A_95 : i32 to vector<16xi32>
    %and3A_97 = arith.andi %get3A_85, %and3A_96 : vector<16xi32>
    %swap3A_98 = arith.constant 0 : i32
    %swap3A_99 = arith.index_cast %swap3A_98 : i32 to index
    %swap3A_100 = arith.constant 32 : index
    %swap3A_101 = tpu.vector_load %arg7[%swap3A_99, %swap3A_100] {strides = array<i32>} : memref<2x80xi32, #tpu.memory_space<vmem>>, vector<1x16xi32>,
    %swap3A_102 = vector.shape_cast %swap3A_101 : vector<1x16xi32> to vector<16xi32>
    %swap3A_103 = vector.shape_cast %and3A_97 : vector<16xi32> to vector<1x16xi32>
    tpu.vector_store %arg7[%swap3A_99, %swap3A_100], %swap3A_103 {strides = array<i32>} : memref<2x80xi32, #tpu.memory_space<vmem>>, vector<1x16xi32>,
    %get3A_104 = arith.constant 0 : i32
    %get3A_105 = arith.index_cast %get3A_104 : i32 to index
    %get3A_106 = arith.constant 48 : index
    %get3A_107 = tpu.vector_load %arg5[%get3A_105, %get3A_106] {strides = array<i32>} : memref<125x80xi32, #tpu.memory_space<vmem>>, vector<1x16xi32>,
    %get3A_108 = vector.shape_cast %get3A_107 : vector<1x16xi32> to vector<16xi32>
    %shift_right_logical3A_109 = arith.constant 12 : i32
    %shift_right_logical3A_110 = vector.broadcast %shift_right_logical3A_109 : i32 to vector<16xi32>
    %shift_right_logical3A_111 = arith.shrui %get3A_108, %shift_right_logical3A_110 : vector<16xi32>
    %swap3A_112 = arith.constant 0 : i32
    %swap3A_113 = arith.index_cast %swap3A_112 : i32 to index
    %swap3A_114 = arith.constant 48 : index
    %swap3A_115 = tpu.vector_load %arg6[%swap3A_113, %swap3A_114] {strides = array<i32>} : memref<2x80xi32, #tpu.memory_space<vmem>>, vector<1x16xi32>,
    %swap3A_116 = vector.shape_cast %swap3A_115 : vector<1x16xi32> to vector<16xi32>
    %swap3A_117 = vector.shape_cast %shift_right_logical3A_111 : vector<16xi32> to vector<1x16xi32>
    tpu.vector_store %arg6[%swap3A_113, %swap3A_114], %swap3A_117 {strides = array<i32>} : memref<2x80xi32, #tpu.memory_space<vmem>>, vector<1x16xi32>,
    %and3A_118 = arith.constant 4095 : i32
    %and3A_119 = vector.broadcast %and3A_118 : i32 to vector<16xi32>
    %and3A_120 = arith.andi %get3A_108, %and3A_119 : vector<16xi32>
    %swap3A_121 = arith.constant 0 : i32
    %swap3A_122 = arith.index_cast %swap3A_121 : i32 to index
    %swap3A_123 = arith.constant 48 : index
    %swap3A_124 = tpu.vector_load %arg7[%swap3A_122, %swap3A_123] {strides = array<i32>} : memref<2x80xi32, #tpu.memory_space<vmem>>, vector<1x16xi32>,
    %swap3A_125 = vector.shape_cast %swap3A_124 : vector<1x16xi32> to vector<16xi32>
    %swap3A_126 = vector.shape_cast %and3A_120 : vector<16xi32> to vector<1x16xi32>
    tpu.vector_store %arg7[%swap3A_122, %swap3A_123], %swap3A_126 {strides = array<i32>} : memref<2x80xi32, #tpu.memory_space<vmem>>, vector<1x16xi32>,
    %get3A_127 = arith.constant 0 : i32
    %get3A_128 = arith.index_cast %get3A_127 : i32 to index
    %get3A_129 = arith.constant 64 : index
    %get3A_130 = tpu.vector_load %arg5[%get3A_128, %get3A_129] {strides = array<i32>} : memref<125x80xi32, #tpu.memory_space<vmem>>, vector<1x16xi32>,
    %get3A_131 = vector.shape_cast %get3A_130 : vector<1x16xi32> to vector<16xi32>
    %shift_right_logical3A_132 = arith.constant 12 : i32
    %shift_right_logical3A_133 = vector.broadcast %shift_right_logical3A_132 : i32 to vector<16xi32>
    %shift_right_logical3A_134 = arith.shrui %get3A_131, %shift_right_logical3A_133 : vector<16xi32>
    %swap3A_135 = arith.constant 0 : i32
    %swap3A_136 = arith.index_cast %swap3A_135 : i32 to index
    %swap3A_137 = arith.constant 64 : index
    %swap3A_138 = tpu.vector_load %arg6[%swap3A_136, %swap3A_137] {strides = array<i32>} : memref<2x80xi32, #tpu.memory_space<vmem>>, vector<1x16xi32>,
    %swap3A_139 = vector.shape_cast %swap3A_138 : vector<1x16xi32> to vector<16xi32>
    %swap3A_140 = vector.shape_cast %shift_right_logical3A_134 : vector<16xi32> to vector<1x16xi32>
    tpu.vector_store %arg6[%swap3A_136, %swap3A_137], %swap3A_140 {strides = array<i32>} : memref<2x80xi32, #tpu.memory_space<vmem>>, vector<1x16xi32>,
    %and3A_141 = arith.constant 4095 : i32
    %and3A_142 = vector.broadcast %and3A_141 : i32 to vector<16xi32>
    %and3A_143 = arith.andi %get3A_131, %and3A_142 : vector<16xi32>
    %swap3A_144 = arith.constant 0 : i32
    %swap3A_145 = arith.index_cast %swap3A_144 : i32 to index
    %swap3A_146 = arith.constant 64 : index
    %swap3A_147 = tpu.vector_load %arg7[%swap3A_145, %swap3A_146] {strides = array<i32>} : memref<2x80xi32, #tpu.memory_space<vmem>>, vector<1x16xi32>,
    %swap3A_148 = vector.shape_cast %swap3A_147 : vector<1x16xi32> to vector<16xi32>
    %swap3A_149 = vector.shape_cast %and3A_143 : vector<16xi32> to vector<1x16xi32>
    tpu.vector_store %arg7[%swap3A_145, %swap3A_146], %swap3A_149 {strides = array<i32>} : memref<2x80xi32, #tpu.memory_space<vmem>>, vector<1x16xi32>,
    %dma_start3A = arith.constant 0 : i32
    %dma_start3A_150 = arith.constant 0 : i32
    %dma_start3A_151 = tpu.memref_slice %arg7[%dma_start3A, %dma_start3A_150] : memref<2x80xi32, #tpu.memory_space<vmem>> -> memref<1x80xi32, #tpu.memory_space<vmem>>
    %dma_start3A_152 = tpu.memref_squeeze %dma_start3A_151 : memref<1x80xi32, #tpu.memory_space<vmem>> -> memref<80xi32, #tpu.memory_space<vmem>>
    %dma_start3A_153 = arith.constant 0 : i32
    %dma_start3A_154 = arith.constant 0 : i32
    %dma_start3A_155 = tpu.memref_slice %arg2[%dma_start3A_153, %dma_start3A_154] : memref<2560x128xf32, #tpu.memory_space<hbm>> -> memref<2560x128xf32, #tpu.memory_space<hbm>>
    tpu.enqueue_indirect_dma source(%dma_start3A_155 : memref<2560x128xf32, #tpu.memory_space<hbm>>) target(%arg8 : memref<80x128xf32, #tpu.memory_space<vmem>>) offsets(%dma_start3A_152 : memref<80xi32, #tpu.memory_space<vmem>>) semaphore(%arg10 : memref<!tpu.dma_semaphore, #tpu.memory_space<semaphore_mem>>)
    %scan3A_156 = arith.constant 0 : i32
    %scan3A_157 = arith.constant 0 : i32
    %scan3A_158 = arith.constant 62 : i32
    %scan3A_159 = arith.addi %scan3A_157, %scan3A_158 : i32
    %scan3A_160 = arith.constant 1 : i32
    %scan3A_161 = scf.for %scan3A_172 = %scan3A_157 to %scan3A_159 step %scan3A_160 iter_args(%scan3A_173 = %scan3A_156) -> (i32)  : i32 {
      %mul3A_174 = arith.constant 2 : i32
      %mul3A_175 = arith.muli %mul3A_174, %scan3A_172 : i32
      %add3A_176 = arith.constant 1 : i32
      %add3A_177 = arith.addi %mul3A_175, %add3A_176 : i32
      %get3A_178 = arith.index_cast %add3A_177 : i32 to index
      %get3A_179 = arith.constant 0 : index
      %get3A_180 = tpu.vector_load %arg5[%get3A_178, %get3A_179] {strides = array<i32>} : memref<125x80xi32, #tpu.memory_space<vmem>>, vector<1x16xi32>,
      %get3A_181 = vector.shape_cast %get3A_180 : vector<1x16xi32> to vector<16xi32>
      %shift_right_logical3A_182 = arith.constant 12 : i32
      %shift_right_logical3A_183 = vector.broadcast %shift_right_logical3A_182 : i32 to vector<16xi32>
      %shift_right_logical3A_184 = arith.shrui %get3A_181, %shift_right_logical3A_183 : vector<16xi32>
      %swap3A_185 = arith.constant 1 : i32
      %swap3A_186 = arith.index_cast %swap3A_185 : i32 to index
      %swap3A_187 = arith.constant 0 : index
      %swap3A_188 = tpu.vector_load %arg6[%swap3A_186, %swap3A_187] {strides = array<i32>} : memref<2x80xi32, #tpu.memory_space<vmem>>, vector<1x16xi32>,
      %swap3A_189 = vector.shape_cast %swap3A_188 : vector<1x16xi32> to vector<16xi32>
      %swap3A_190 = vector.shape_cast %shift_right_logical3A_184 : vector<16xi32> to vector<1x16xi32>
      tpu.vector_store %arg6[%swap3A_186, %swap3A_187], %swap3A_190 {strides = array<i32>} : memref<2x80xi32, #tpu.memory_space<vmem>>, vector<1x16xi32>,
      %and3A_191 = arith.constant 4095 : i32
      %and3A_192 = vector.broadcast %and3A_191 : i32 to vector<16xi32>
      %and3A_193 = arith.andi %get3A_181, %and3A_192 : vector<16xi32>
      %swap3A_194 = arith.constant 1 : i32
      %swap3A_195 = arith.index_cast %swap3A_194 : i32 to index
      %swap3A_196 = arith.constant 0 : index
      %swap3A_197 = tpu.vector_load %arg7[%swap3A_195, %swap3A_196] {strides = array<i32>} : memref<2x80xi32, #tpu.memory_space<vmem>>, vector<1x16xi32>,
      %swap3A_198 = vector.shape_cast %swap3A_197 : vector<1x16xi32> to vector<16xi32>
      %swap3A_199 = vector.shape_cast %and3A_193 : vector<16xi32> to vector<1x16xi32>
      tpu.vector_store %arg7[%swap3A_195, %swap3A_196], %swap3A_199 {strides = array<i32>} : memref<2x80xi32, #tpu.memory_space<vmem>>, vector<1x16xi32>,
      %get3A_200 = arith.index_cast %add3A_177 : i32 to index
      %get3A_201 = arith.constant 16 : index
      %get3A_202 = tpu.vector_load %arg5[%get3A_200, %get3A_201] {strides = array<i32>} : memref<125x80xi32, #tpu.memory_space<vmem>>, vector<1x16xi32>,
      %get3A_203 = vector.shape_cast %get3A_202 : vector<1x16xi32> to vector<16xi32>
      %shift_right_logical3A_204 = arith.constant 12 : i32
      %shift_right_logical3A_205 = vector.broadcast %shift_right_logical3A_204 : i32 to vector<16xi32>
      %shift_right_logical3A_206 = arith.shrui %get3A_203, %shift_right_logical3A_205 : vector<16xi32>
      %swap3A_207 = arith.constant 1 : i32
      %swap3A_208 = arith.index_cast %swap3A_207 : i32 to index
      %swap3A_209 = arith.constant 16 : index
      %swap3A_210 = tpu.vector_load %arg6[%swap3A_208, %swap3A_209] {strides = array<i32>} : memref<2x80xi32, #tpu.memory_space<vmem>>, vector<1x16xi32>,
      %swap3A_211 = vector.shape_cast %swap3A_210 : vector<1x16xi32> to vector<16xi32>
      %swap3A_212 = vector.shape_cast %shift_right_logical3A_206 : vector<16xi32> to vector<1x16xi32>
      tpu.vector_store %arg6[%swap3A_208, %swap3A_209], %swap3A_212 {strides = array<i32>} : memref<2x80xi32, #tpu.memory_space<vmem>>, vector<1x16xi32>,
      %and3A_213 = arith.constant 4095 : i32
      %and3A_214 = vector.broadcast %and3A_213 : i32 to vector<16xi32>
      %and3A_215 = arith.andi %get3A_203, %and3A_214 : vector<16xi32>
      %swap3A_216 = arith.constant 1 : i32
      %swap3A_217 = arith.index_cast %swap3A_216 : i32 to index
      %swap3A_218 = arith.constant 16 : index
      %swap3A_219 = tpu.vector_load %arg7[%swap3A_217, %swap3A_218] {strides = array<i32>} : memref<2x80xi32, #tpu.memory_space<vmem>>, vector<1x16xi32>,
      %swap3A_220 = vector.shape_cast %swap3A_219 : vector<1x16xi32> to vector<16xi32>
      %swap3A_221 = vector.shape_cast %and3A_215 : vector<16xi32> to vector<1x16xi32>
      tpu.vector_store %arg7[%swap3A_217, %swap3A_218], %swap3A_221 {strides = array<i32>} : memref<2x80xi32, #tpu.memory_space<vmem>>, vector<1x16xi32>,
      %get3A_222 = arith.index_cast %add3A_177 : i32 to index
      %get3A_223 = arith.constant 32 : index
      %get3A_224 = tpu.vector_load %arg5[%get3A_222, %get3A_223] {strides = array<i32>} : memref<125x80xi32, #tpu.memory_space<vmem>>, vector<1x16xi32>,
      %get3A_225 = vector.shape_cast %get3A_224 : vector<1x16xi32> to vector<16xi32>
      %shift_right_logical3A_226 = arith.constant 12 : i32
      %shift_right_logical3A_227 = vector.broadcast %shift_right_logical3A_226 : i32 to vector<16xi32>
      %shift_right_logical3A_228 = arith.shrui %get3A_225, %shift_right_logical3A_227 : vector<16xi32>
      %swap3A_229 = arith.constant 1 : i32
      %swap3A_230 = arith.index_cast %swap3A_229 : i32 to index
      %swap3A_231 = arith.constant 32 : index
      %swap3A_232 = tpu.vector_load %arg6[%swap3A_230, %swap3A_231] {strides = array<i32>} : memref<2x80xi32, #tpu.memory_space<vmem>>, vector<1x16xi32>,
      %swap3A_233 = vector.shape_cast %swap3A_232 : vector<1x16xi32> to vector<16xi32>
      %swap3A_234 = vector.shape_cast %shift_right_logical3A_228 : vector<16xi32> to vector<1x16xi32>
      tpu.vector_store %arg6[%swap3A_230, %swap3A_231], %swap3A_234 {strides = array<i32>} : memref<2x80xi32, #tpu.memory_space<vmem>>, vector<1x16xi32>,
      %and3A_235 = arith.constant 4095 : i32
      %and3A_236 = vector.broadcast %and3A_235 : i32 to vector<16xi32>
      %and3A_237 = arith.andi %get3A_225, %and3A_236 : vector<16xi32>
      %swap3A_238 = arith.constant 1 : i32
      %swap3A_239 = arith.index_cast %swap3A_238 : i32 to index
      %swap3A_240 = arith.constant 32 : index
      %swap3A_241 = tpu.vector_load %arg7[%swap3A_239, %swap3A_240] {strides = array<i32>} : memref<2x80xi32, #tpu.memory_space<vmem>>, vector<1x16xi32>,
      %swap3A_242 = vector.shape_cast %swap3A_241 : vector<1x16xi32> to vector<16xi32>
      %swap3A_243 = vector.shape_cast %and3A_237 : vector<16xi32> to vector<1x16xi32>
      tpu.vector_store %arg7[%swap3A_239, %swap3A_240], %swap3A_243 {strides = array<i32>} : memref<2x80xi32, #tpu.memory_space<vmem>>, vector<1x16xi32>,
      %get3A_244 = arith.index_cast %add3A_177 : i32 to index
      %get3A_245 = arith.constant 48 : index
      %get3A_246 = tpu.vector_load %arg5[%get3A_244, %get3A_245] {strides = array<i32>} : memref<125x80xi32, #tpu.memory_space<vmem>>, vector<1x16xi32>,
      %get3A_247 = vector.shape_cast %get3A_246 : vector<1x16xi32> to vector<16xi32>
      %shift_right_logical3A_248 = arith.constant 12 : i32
      %shift_right_logical3A_249 = vector.broadcast %shift_right_logical3A_248 : i32 to vector<16xi32>
      %shift_right_logical3A_250 = arith.shrui %get3A_247, %shift_right_logical3A_249 : vector<16xi32>
      %swap3A_251 = arith.constant 1 : i32
      %swap3A_252 = arith.index_cast %swap3A_251 : i32 to index
      %swap3A_253 = arith.constant 48 : index
      %swap3A_254 = tpu.vector_load %arg6[%swap3A_252, %swap3A_253] {strides = array<i32>} : memref<2x80xi32, #tpu.memory_space<vmem>>, vector<1x16xi32>,
      %swap3A_255 = vector.shape_cast %swap3A_254 : vector<1x16xi32> to vector<16xi32>
      %swap3A_256 = vector.shape_cast %shift_right_logical3A_250 : vector<16xi32> to vector<1x16xi32>
      tpu.vector_store %arg6[%swap3A_252, %swap3A_253], %swap3A_256 {strides = array<i32>} : memref<2x80xi32, #tpu.memory_space<vmem>>, vector<1x16xi32>,
      %and3A_257 = arith.constant 4095 : i32
      %and3A_258 = vector.broadcast %and3A_257 : i32 to vector<16xi32>
      %and3A_259 = arith.andi %get3A_247, %and3A_258 : vector<16xi32>
      %swap3A_260 = arith.constant 1 : i32
      %swap3A_261 = arith.index_cast %swap3A_260 : i32 to index
      %swap3A_262 = arith.constant 48 : index
      %swap3A_263 = tpu.vector_load %arg7[%swap3A_261, %swap3A_262] {strides = array<i32>} : memref<2x80xi32, #tpu.memory_space<vmem>>, vector<1x16xi32>,
      %swap3A_264 = vector.shape_cast %swap3A_263 : vector<1x16xi32> to vector<16xi32>
      %swap3A_265 = vector.shape_cast %and3A_259 : vector<16xi32> to vector<1x16xi32>
      tpu.vector_store %arg7[%swap3A_261, %swap3A_262], %swap3A_265 {strides = array<i32>} : memref<2x80xi32, #tpu.memory_space<vmem>>, vector<1x16xi32>,
      %get3A_266 = arith.index_cast %add3A_177 : i32 to index
      %get3A_267 = arith.constant 64 : index
      %get3A_268 = tpu.vector_load %arg5[%get3A_266, %get3A_267] {strides = array<i32>} : memref<125x80xi32, #tpu.memory_space<vmem>>, vector<1x16xi32>,
      %get3A_269 = vector.shape_cast %get3A_268 : vector<1x16xi32> to vector<16xi32>
      %shift_right_logical3A_270 = arith.constant 12 : i32
      %shift_right_logical3A_271 = vector.broadcast %shift_right_logical3A_270 : i32 to vector<16xi32>
      %shift_right_logical3A_272 = arith.shrui %get3A_269, %shift_right_logical3A_271 : vector<16xi32>
      %swap3A_273 = arith.constant 1 : i32
      %swap3A_274 = arith.index_cast %swap3A_273 : i32 to index
      %swap3A_275 = arith.constant 64 : index
      %swap3A_276 = tpu.vector_load %arg6[%swap3A_274, %swap3A_275] {strides = array<i32>} : memref<2x80xi32, #tpu.memory_space<vmem>>, vector<1x16xi32>,
      %swap3A_277 = vector.shape_cast %swap3A_276 : vector<1x16xi32> to vector<16xi32>
      %swap3A_278 = vector.shape_cast %shift_right_logical3A_272 : vector<16xi32> to vector<1x16xi32>
      tpu.vector_store %arg6[%swap3A_274, %swap3A_275], %swap3A_278 {strides = array<i32>} : memref<2x80xi32, #tpu.memory_space<vmem>>, vector<1x16xi32>,
      %and3A_279 = arith.constant 4095 : i32
      %and3A_280 = vector.broadcast %and3A_279 : i32 to vector<16xi32>
      %and3A_281 = arith.andi %get3A_269, %and3A_280 : vector<16xi32>
      %swap3A_282 = arith.constant 1 : i32
      %swap3A_283 = arith.index_cast %swap3A_282 : i32 to index
      %swap3A_284 = arith.constant 64 : index
      %swap3A_285 = tpu.vector_load %arg7[%swap3A_283, %swap3A_284] {strides = array<i32>} : memref<2x80xi32, #tpu.memory_space<vmem>>, vector<1x16xi32>,
      %swap3A_286 = vector.shape_cast %swap3A_285 : vector<1x16xi32> to vector<16xi32>
      %swap3A_287 = vector.shape_cast %and3A_281 : vector<16xi32> to vector<1x16xi32>
      tpu.vector_store %arg7[%swap3A_283, %swap3A_284], %swap3A_287 {strides = array<i32>} : memref<2x80xi32, #tpu.memory_space<vmem>>, vector<1x16xi32>,
      %dma_start3A_288 = arith.constant 1 : i32
      %dma_start3A_289 = arith.constant 0 : i32
      %dma_start3A_290 = tpu.memref_slice %arg7[%dma_start3A_288, %dma_start3A_289] : memref<2x80xi32, #tpu.memory_space<vmem>> -> memref<1x80xi32, #tpu.memory_space<vmem>>
      %dma_start3A_291 = tpu.memref_squeeze %dma_start3A_290 : memref<1x80xi32, #tpu.memory_space<vmem>> -> memref<80xi32, #tpu.memory_space<vmem>>
      %dma_start3A_292 = arith.constant 0 : i32
      %dma_start3A_293 = arith.constant 0 : i32
      %dma_start3A_294 = tpu.memref_slice %arg2[%dma_start3A_292, %dma_start3A_293] : memref<2560x128xf32, #tpu.memory_space<hbm>> -> memref<2560x128xf32, #tpu.memory_space<hbm>>
      tpu.enqueue_indirect_dma source(%dma_start3A_294 : memref<2560x128xf32, #tpu.memory_space<hbm>>) target(%arg9 : memref<80x128xf32, #tpu.memory_space<vmem>>) offsets(%dma_start3A_291 : memref<80xi32, #tpu.memory_space<vmem>>) semaphore(%arg11 : memref<!tpu.dma_semaphore, #tpu.memory_space<semaphore_mem>>)
      %dma_wait3A_295 = arith.constant 0 : i32
      %dma_wait3A_296 = arith.constant 0 : i32
      %dma_wait3A_297 = tpu.memref_slice %arg7[%dma_wait3A_295, %dma_wait3A_296] : memref<2x80xi32, #tpu.memory_space<vmem>> -> memref<1x80xi32, #tpu.memory_space<vmem>>
      %dma_wait3A_298 = tpu.memref_squeeze %dma_wait3A_297 : memref<1x80xi32, #tpu.memory_space<vmem>> -> memref<80xi32, #tpu.memory_space<vmem>>
      %dma_wait3A_299 = arith.constant 0 : i32
      %dma_wait3A_300 = arith.constant 0 : i32
      %dma_wait3A_301 = tpu.memref_slice %arg2[%dma_wait3A_299, %dma_wait3A_300] : memref<2560x128xf32, #tpu.memory_space<hbm>> -> memref<2560x128xf32, #tpu.memory_space<hbm>>
      tpu.wait_indirect_dma semaphore(%arg10 : memref<!tpu.dma_semaphore, #tpu.memory_space<semaphore_mem>>) src(%dma_wait3A_301 : memref<2560x128xf32, #tpu.memory_space<hbm>>) dst(%arg8 : memref<80x128xf32, #tpu.memory_space<vmem>>)
      %run_scoped3A_302 = arith.constant 0 : i32
      "tpu.region"() ({
        %run_scoped3A_431 = tpu.sem_alloc : memref<!tpu.dma_semaphore, #tpu.memory_space<semaphore_mem>>
        %dma_start3A_432 = arith.constant 0 : i32
        %dma_start3A_433 = tpu.memref_slice %arg6[%run_scoped3A_302, %dma_start3A_432] : memref<2x80xi32, #tpu.memory_space<vmem>> -> memref<1x80xi32, #tpu.memory_space<vmem>>
        %dma_start3A_434 = tpu.memref_squeeze %dma_start3A_433 : memref<1x80xi32, #tpu.memory_space<vmem>> -> memref<80xi32, #tpu.memory_space<vmem>>
        %dma_start3A_435 = arith.constant 0 : i32
        %dma_start3A_436 = arith.constant 0 : i32
        %dma_start3A_437 = tpu.memref_slice %arg12[%dma_start3A_435, %dma_start3A_436] : memref<10240x128xf32, #tpu.memory_space<vmem_shared>> -> memref<10240x128xf32, #tpu.memory_space<vmem_shared>>
        tpu.enqueue_indirect_dma source(%arg8 : memref<80x128xf32, #tpu.memory_space<vmem>>) target(%dma_start3A_437 : memref<10240x128xf32, #tpu.memory_space<vmem_shared>>) offsets(%dma_start3A_434 : memref<80xi32, #tpu.memory_space<vmem>>) semaphore(%run_scoped3A_431 : memref<!tpu.dma_semaphore, #tpu.memory_space<semaphore_mem>>) {add = true}
        %dma_wait3A_438 = arith.constant 0 : i32
        %dma_wait3A_439 = tpu.memref_slice %arg6[%run_scoped3A_302, %dma_wait3A_438] : memref<2x80xi32, #tpu.memory_space<vmem>> -> memref<1x80xi32, #tpu.memory_space<vmem>>
        %dma_wait3A_440 = tpu.memref_squeeze %dma_wait3A_439 : memref<1x80xi32, #tpu.memory_space<vmem>> -> memref<80xi32, #tpu.memory_space<vmem>>
        %dma_wait3A_441 = arith.constant 0 : i32
        %dma_wait3A_442 = arith.constant 0 : i32
        %dma_wait3A_443 = tpu.memref_slice %arg12[%dma_wait3A_441, %dma_wait3A_442] : memref<10240x128xf32, #tpu.memory_space<vmem_shared>> -> memref<10240x128xf32, #tpu.memory_space<vmem_shared>>
        tpu.wait_indirect_dma semaphore(%run_scoped3A_431 : memref<!tpu.dma_semaphore, #tpu.memory_space<semaphore_mem>>) src(%arg8 : memref<80x128xf32, #tpu.memory_space<vmem>>) dst(%dma_wait3A_443 : memref<10240x128xf32, #tpu.memory_space<vmem_shared>>)
        tpu.yield
      }) : () -> ()
      %add3A_303 = arith.constant 2 : i32
      %add3A_304 = arith.addi %mul3A_175, %add3A_303 : i32
      %get3A_305 = arith.index_cast %add3A_304 : i32 to index
      %get3A_306 = arith.constant 0 : index
      %get3A_307 = tpu.vector_load %arg5[%get3A_305, %get3A_306] {strides = array<i32>} : memref<125x80xi32, #tpu.memory_space<vmem>>, vector<1x16xi32>,
      %get3A_308 = vector.shape_cast %get3A_307 : vector<1x16xi32> to vector<16xi32>
      %shift_right_logical3A_309 = arith.constant 12 : i32
      %shift_right_logical3A_310 = vector.broadcast %shift_right_logical3A_309 : i32 to vector<16xi32>
      %shift_right_logical3A_311 = arith.shrui %get3A_308, %shift_right_logical3A_310 : vector<16xi32>
      %swap3A_312 = arith.constant 0 : i32
      %swap3A_313 = arith.index_cast %swap3A_312 : i32 to index
      %swap3A_314 = arith.constant 0 : index
      %swap3A_315 = tpu.vector_load %arg6[%swap3A_313, %swap3A_314] {strides = array<i32>} : memref<2x80xi32, #tpu.memory_space<vmem>>, vector<1x16xi32>,
      %swap3A_316 = vector.shape_cast %swap3A_315 : vector<1x16xi32> to vector<16xi32>
      %swap3A_317 = vector.shape_cast %shift_right_logical3A_311 : vector<16xi32> to vector<1x16xi32>
      tpu.vector_store %arg6[%swap3A_313, %swap3A_314], %swap3A_317 {strides = array<i32>} : memref<2x80xi32, #tpu.memory_space<vmem>>, vector<1x16xi32>,
      %and3A_318 = arith.constant 4095 : i32
      %and3A_319 = vector.broadcast %and3A_318 : i32 to vector<16xi32>
      %and3A_320 = arith.andi %get3A_308, %and3A_319 : vector<16xi32>
      %swap3A_321 = arith.constant 0 : i32
      %swap3A_322 = arith.index_cast %swap3A_321 : i32 to index
      %swap3A_323 = arith.constant 0 : index
      %swap3A_324 = tpu.vector_load %arg7[%swap3A_322, %swap3A_323] {strides = array<i32>} : memref<2x80xi32, #tpu.memory_space<vmem>>, vector<1x16xi32>,
      %swap3A_325 = vector.shape_cast %swap3A_324 : vector<1x16xi32> to vector<16xi32>
      %swap3A_326 = vector.shape_cast %and3A_320 : vector<16xi32> to vector<1x16xi32>
      tpu.vector_store %arg7[%swap3A_322, %swap3A_323], %swap3A_326 {strides = array<i32>} : memref<2x80xi32, #tpu.memory_space<vmem>>, vector<1x16xi32>,
      %get3A_327 = arith.index_cast %add3A_304 : i32 to index
      %get3A_328 = arith.constant 16 : index
      %get3A_329 = tpu.vector_load %arg5[%get3A_327, %get3A_328] {strides = array<i32>} : memref<125x80xi32, #tpu.memory_space<vmem>>, vector<1x16xi32>,
      %get3A_330 = vector.shape_cast %get3A_329 : vector<1x16xi32> to vector<16xi32>
      %shift_right_logical3A_331 = arith.constant 12 : i32
      %shift_right_logical3A_332 = vector.broadcast %shift_right_logical3A_331 : i32 to vector<16xi32>
      %shift_right_logical3A_333 = arith.shrui %get3A_330, %shift_right_logical3A_332 : vector<16xi32>
      %swap3A_334 = arith.constant 0 : i32
      %swap3A_335 = arith.index_cast %swap3A_334 : i32 to index
      %swap3A_336 = arith.constant 16 : index
      %swap3A_337 = tpu.vector_load %arg6[%swap3A_335, %swap3A_336] {strides = array<i32>} : memref<2x80xi32, #tpu.memory_space<vmem>>, vector<1x16xi32>,
      %swap3A_338 = vector.shape_cast %swap3A_337 : vector<1x16xi32> to vector<16xi32>
      %swap3A_339 = vector.shape_cast %shift_right_logical3A_333 : vector<16xi32> to vector<1x16xi32>
      tpu.vector_store %arg6[%swap3A_335, %swap3A_336], %swap3A_339 {strides = array<i32>} : memref<2x80xi32, #tpu.memory_space<vmem>>, vector<1x16xi32>,
      %and3A_340 = arith.constant 4095 : i32
      %and3A_341 = vector.broadcast %and3A_340 : i32 to vector<16xi32>
      %and3A_342 = arith.andi %get3A_330, %and3A_341 : vector<16xi32>
      %swap3A_343 = arith.constant 0 : i32
      %swap3A_344 = arith.index_cast %swap3A_343 : i32 to index
      %swap3A_345 = arith.constant 16 : index
      %swap3A_346 = tpu.vector_load %arg7[%swap3A_344, %swap3A_345] {strides = array<i32>} : memref<2x80xi32, #tpu.memory_space<vmem>>, vector<1x16xi32>,
      %swap3A_347 = vector.shape_cast %swap3A_346 : vector<1x16xi32> to vector<16xi32>
      %swap3A_348 = vector.shape_cast %and3A_342 : vector<16xi32> to vector<1x16xi32>
      tpu.vector_store %arg7[%swap3A_344, %swap3A_345], %swap3A_348 {strides = array<i32>} : memref<2x80xi32, #tpu.memory_space<vmem>>, vector<1x16xi32>,
      %get3A_349 = arith.index_cast %add3A_304 : i32 to index
      %get3A_350 = arith.constant 32 : index
      %get3A_351 = tpu.vector_load %arg5[%get3A_349, %get3A_350] {strides = array<i32>} : memref<125x80xi32, #tpu.memory_space<vmem>>, vector<1x16xi32>,
      %get3A_352 = vector.shape_cast %get3A_351 : vector<1x16xi32> to vector<16xi32>
      %shift_right_logical3A_353 = arith.constant 12 : i32
      %shift_right_logical3A_354 = vector.broadcast %shift_right_logical3A_353 : i32 to vector<16xi32>
      %shift_right_logical3A_355 = arith.shrui %get3A_352, %shift_right_logical3A_354 : vector<16xi32>
      %swap3A_356 = arith.constant 0 : i32
      %swap3A_357 = arith.index_cast %swap3A_356 : i32 to index
      %swap3A_358 = arith.constant 32 : index
      %swap3A_359 = tpu.vector_load %arg6[%swap3A_357, %swap3A_358] {strides = array<i32>} : memref<2x80xi32, #tpu.memory_space<vmem>>, vector<1x16xi32>,
      %swap3A_360 = vector.shape_cast %swap3A_359 : vector<1x16xi32> to vector<16xi32>
      %swap3A_361 = vector.shape_cast %shift_right_logical3A_355 : vector<16xi32> to vector<1x16xi32>
      tpu.vector_store %arg6[%swap3A_357, %swap3A_358], %swap3A_361 {strides = array<i32>} : memref<2x80xi32, #tpu.memory_space<vmem>>, vector<1x16xi32>,
      %and3A_362 = arith.constant 4095 : i32
      %and3A_363 = vector.broadcast %and3A_362 : i32 to vector<16xi32>
      %and3A_364 = arith.andi %get3A_352, %and3A_363 : vector<16xi32>
      %swap3A_365 = arith.constant 0 : i32
      %swap3A_366 = arith.index_cast %swap3A_365 : i32 to index
      %swap3A_367 = arith.constant 32 : index
      %swap3A_368 = tpu.vector_load %arg7[%swap3A_366, %swap3A_367] {strides = array<i32>} : memref<2x80xi32, #tpu.memory_space<vmem>>, vector<1x16xi32>,
      %swap3A_369 = vector.shape_cast %swap3A_368 : vector<1x16xi32> to vector<16xi32>
      %swap3A_370 = vector.shape_cast %and3A_364 : vector<16xi32> to vector<1x16xi32>
      tpu.vector_store %arg7[%swap3A_366, %swap3A_367], %swap3A_370 {strides = array<i32>} : memref<2x80xi32, #tpu.memory_space<vmem>>, vector<1x16xi32>,
      %get3A_371 = arith.index_cast %add3A_304 : i32 to index
      %get3A_372 = arith.constant 48 : index
      %get3A_373 = tpu.vector_load %arg5[%get3A_371, %get3A_372] {strides = array<i32>} : memref<125x80xi32, #tpu.memory_space<vmem>>, vector<1x16xi32>,
      %get3A_374 = vector.shape_cast %get3A_373 : vector<1x16xi32> to vector<16xi32>
      %shift_right_logical3A_375 = arith.constant 12 : i32
      %shift_right_logical3A_376 = vector.broadcast %shift_right_logical3A_375 : i32 to vector<16xi32>
      %shift_right_logical3A_377 = arith.shrui %get3A_374, %shift_right_logical3A_376 : vector<16xi32>
      %swap3A_378 = arith.constant 0 : i32
      %swap3A_379 = arith.index_cast %swap3A_378 : i32 to index
      %swap3A_380 = arith.constant 48 : index
      %swap3A_381 = tpu.vector_load %arg6[%swap3A_379, %swap3A_380] {strides = array<i32>} : memref<2x80xi32, #tpu.memory_space<vmem>>, vector<1x16xi32>,
      %swap3A_382 = vector.shape_cast %swap3A_381 : vector<1x16xi32> to vector<16xi32>
      %swap3A_383 = vector.shape_cast %shift_right_logical3A_377 : vector<16xi32> to vector<1x16xi32>
      tpu.vector_store %arg6[%swap3A_379, %swap3A_380], %swap3A_383 {strides = array<i32>} : memref<2x80xi32, #tpu.memory_space<vmem>>, vector<1x16xi32>,
      %and3A_384 = arith.constant 4095 : i32
      %and3A_385 = vector.broadcast %and3A_384 : i32 to vector<16xi32>
      %and3A_386 = arith.andi %get3A_374, %and3A_385 : vector<16xi32>
      %swap3A_387 = arith.constant 0 : i32
      %swap3A_388 = arith.index_cast %swap3A_387 : i32 to index
      %swap3A_389 = arith.constant 48 : index
      %swap3A_390 = tpu.vector_load %arg7[%swap3A_388, %swap3A_389] {strides = array<i32>} : memref<2x80xi32, #tpu.memory_space<vmem>>, vector<1x16xi32>,
      %swap3A_391 = vector.shape_cast %swap3A_390 : vector<1x16xi32> to vector<16xi32>
      %swap3A_392 = vector.shape_cast %and3A_386 : vector<16xi32> to vector<1x16xi32>
      tpu.vector_store %arg7[%swap3A_388, %swap3A_389], %swap3A_392 {strides = array<i32>} : memref<2x80xi32, #tpu.memory_space<vmem>>, vector<1x16xi32>,
      %get3A_393 = arith.index_cast %add3A_304 : i32 to index
      %get3A_394 = arith.constant 64 : index
      %get3A_395 = tpu.vector_load %arg5[%get3A_393, %get3A_394] {strides = array<i32>} : memref<125x80xi32, #tpu.memory_space<vmem>>, vector<1x16xi32>,
      %get3A_396 = vector.shape_cast %get3A_395 : vector<1x16xi32> to vector<16xi32>
      %shift_right_logical3A_397 = arith.constant 12 : i32
      %shift_right_logical3A_398 = vector.broadcast %shift_right_logical3A_397 : i32 to vector<16xi32>
      %shift_right_logical3A_399 = arith.shrui %get3A_396, %shift_right_logical3A_398 : vector<16xi32>
      %swap3A_400 = arith.constant 0 : i32
      %swap3A_401 = arith.index_cast %swap3A_400 : i32 to index
      %swap3A_402 = arith.constant 64 : index
      %swap3A_403 = tpu.vector_load %arg6[%swap3A_401, %swap3A_402] {strides = array<i32>} : memref<2x80xi32, #tpu.memory_space<vmem>>, vector<1x16xi32>,
      %swap3A_404 = vector.shape_cast %swap3A_403 : vector<1x16xi32> to vector<16xi32>
      %swap3A_405 = vector.shape_cast %shift_right_logical3A_399 : vector<16xi32> to vector<1x16xi32>
      tpu.vector_store %arg6[%swap3A_401, %swap3A_402], %swap3A_405 {strides = array<i32>} : memref<2x80xi32, #tpu.memory_space<vmem>>, vector<1x16xi32>,
      %and3A_406 = arith.constant 4095 : i32
      %and3A_407 = vector.broadcast %and3A_406 : i32 to vector<16xi32>
      %and3A_408 = arith.andi %get3A_396, %and3A_407 : vector<16xi32>
      %swap3A_409 = arith.constant 0 : i32
      %swap3A_410 = arith.index_cast %swap3A_409 : i32 to index
      %swap3A_411 = arith.constant 64 : index
      %swap3A_412 = tpu.vector_load %arg7[%swap3A_410, %swap3A_411] {strides = array<i32>} : memref<2x80xi32, #tpu.memory_space<vmem>>, vector<1x16xi32>,
      %swap3A_413 = vector.shape_cast %swap3A_412 : vector<1x16xi32> to vector<16xi32>
      %swap3A_414 = vector.shape_cast %and3A_408 : vector<16xi32> to vector<1x16xi32>
      tpu.vector_store %arg7[%swap3A_410, %swap3A_411], %swap3A_414 {strides = array<i32>} : memref<2x80xi32, #tpu.memory_space<vmem>>, vector<1x16xi32>,
      %dma_start3A_415 = arith.constant 0 : i32
      %dma_start3A_416 = arith.constant 0 : i32
      %dma_start3A_417 = tpu.memref_slice %arg7[%dma_start3A_415, %dma_start3A_416] : memref<2x80xi32, #tpu.memory_space<vmem>> -> memref<1x80xi32, #tpu.memory_space<vmem>>
      %dma_start3A_418 = tpu.memref_squeeze %dma_start3A_417 : memref<1x80xi32, #tpu.memory_space<vmem>> -> memref<80xi32, #tpu.memory_space<vmem>>
      %dma_start3A_419 = arith.constant 0 : i32
      %dma_start3A_420 = arith.constant 0 : i32
      %dma_start3A_421 = tpu.memref_slice %arg2[%dma_start3A_419, %dma_start3A_420] : memref<2560x128xf32, #tpu.memory_space<hbm>> -> memref<2560x128xf32, #tpu.memory_space<hbm>>
      tpu.enqueue_indirect_dma source(%dma_start3A_421 : memref<2560x128xf32, #tpu.memory_space<hbm>>) target(%arg8 : memref<80x128xf32, #tpu.memory_space<vmem>>) offsets(%dma_start3A_418 : memref<80xi32, #tpu.memory_space<vmem>>) semaphore(%arg10 : memref<!tpu.dma_semaphore, #tpu.memory_space<semaphore_mem>>)
      %dma_wait3A_422 = arith.constant 1 : i32
      %dma_wait3A_423 = arith.constant 0 : i32
      %dma_wait3A_424 = tpu.memref_slice %arg7[%dma_wait3A_422, %dma_wait3A_423] : memref<2x80xi32, #tpu.memory_space<vmem>> -> memref<1x80xi32, #tpu.memory_space<vmem>>
      %dma_wait3A_425 = tpu.memref_squeeze %dma_wait3A_424 : memref<1x80xi32, #tpu.memory_space<vmem>> -> memref<80xi32, #tpu.memory_space<vmem>>
      %dma_wait3A_426 = arith.constant 0 : i32
      %dma_wait3A_427 = arith.constant 0 : i32
      %dma_wait3A_428 = tpu.memref_slice %arg2[%dma_wait3A_426, %dma_wait3A_427] : memref<2560x128xf32, #tpu.memory_space<hbm>> -> memref<2560x128xf32, #tpu.memory_space<hbm>>
      tpu.wait_indirect_dma semaphore(%arg11 : memref<!tpu.dma_semaphore, #tpu.memory_space<semaphore_mem>>) src(%dma_wait3A_428 : memref<2560x128xf32, #tpu.memory_space<hbm>>) dst(%arg9 : memref<80x128xf32, #tpu.memory_space<vmem>>)
      %run_scoped3A_429 = arith.constant 1 : i32
      "tpu.region"() ({
        %run_scoped3A_431 = tpu.sem_alloc : memref<!tpu.dma_semaphore, #tpu.memory_space<semaphore_mem>>
        %dma_start3A_432 = arith.constant 0 : i32
        %dma_start3A_433 = tpu.memref_slice %arg6[%run_scoped3A_429, %dma_start3A_432] : memref<2x80xi32, #tpu.memory_space<vmem>> -> memref<1x80xi32, #tpu.memory_space<vmem>>
        %dma_start3A_434 = tpu.memref_squeeze %dma_start3A_433 : memref<1x80xi32, #tpu.memory_space<vmem>> -> memref<80xi32, #tpu.memory_space<vmem>>
        %dma_start3A_435 = arith.constant 0 : i32
        %dma_start3A_436 = arith.constant 0 : i32
        %dma_start3A_437 = tpu.memref_slice %arg12[%dma_start3A_435, %dma_start3A_436] : memref<10240x128xf32, #tpu.memory_space<vmem_shared>> -> memref<10240x128xf32, #tpu.memory_space<vmem_shared>>
        tpu.enqueue_indirect_dma source(%arg9 : memref<80x128xf32, #tpu.memory_space<vmem>>) target(%dma_start3A_437 : memref<10240x128xf32, #tpu.memory_space<vmem_shared>>) offsets(%dma_start3A_434 : memref<80xi32, #tpu.memory_space<vmem>>) semaphore(%run_scoped3A_431 : memref<!tpu.dma_semaphore, #tpu.memory_space<semaphore_mem>>) {add = true}
        %dma_wait3A_438 = arith.constant 0 : i32
        %dma_wait3A_439 = tpu.memref_slice %arg6[%run_scoped3A_429, %dma_wait3A_438] : memref<2x80xi32, #tpu.memory_space<vmem>> -> memref<1x80xi32, #tpu.memory_space<vmem>>
        %dma_wait3A_440 = tpu.memref_squeeze %dma_wait3A_439 : memref<1x80xi32, #tpu.memory_space<vmem>> -> memref<80xi32, #tpu.memory_space<vmem>>
        %dma_wait3A_441 = arith.constant 0 : i32
        %dma_wait3A_442 = arith.constant 0 : i32
        %dma_wait3A_443 = tpu.memref_slice %arg12[%dma_wait3A_441, %dma_wait3A_442] : memref<10240x128xf32, #tpu.memory_space<vmem_shared>> -> memref<10240x128xf32, #tpu.memory_space<vmem_shared>>
        tpu.wait_indirect_dma semaphore(%run_scoped3A_431 : memref<!tpu.dma_semaphore, #tpu.memory_space<semaphore_mem>>) src(%arg9 : memref<80x128xf32, #tpu.memory_space<vmem>>) dst(%dma_wait3A_443 : memref<10240x128xf32, #tpu.memory_space<vmem_shared>>)
        tpu.yield
      }) : () -> ()
      %scan3A_430 = arith.constant 0 : i32
      scf.yield %scan3A_430 : i32
    }
    %scan3A_162 = arith.constant 62 : i32
    %dma_wait3A = arith.constant 0 : i32
    %dma_wait3A_163 = arith.constant 0 : i32
    %dma_wait3A_164 = tpu.memref_slice %arg7[%dma_wait3A, %dma_wait3A_163] : memref<2x80xi32, #tpu.memory_space<vmem>> -> memref<1x80xi32, #tpu.memory_space<vmem>>
    %dma_wait3A_165 = tpu.memref_squeeze %dma_wait3A_164 : memref<1x80xi32, #tpu.memory_space<vmem>> -> memref<80xi32, #tpu.memory_space<vmem>>
    %dma_wait3A_166 = arith.constant 0 : i32
    %dma_wait3A_167 = arith.constant 0 : i32
    %dma_wait3A_168 = tpu.memref_slice %arg2[%dma_wait3A_166, %dma_wait3A_167] : memref<2560x128xf32, #tpu.memory_space<hbm>> -> memref<2560x128xf32, #tpu.memory_space<hbm>>
    tpu.wait_indirect_dma semaphore(%arg10 : memref<!tpu.dma_semaphore, #tpu.memory_space<semaphore_mem>>) src(%dma_wait3A_168 : memref<2560x128xf32, #tpu.memory_space<hbm>>) dst(%arg8 : memref<80x128xf32, #tpu.memory_space<vmem>>)
    %run_scoped3A = arith.constant 0 : i32
    "tpu.region"() ({
      %run_scoped3A_172 = tpu.sem_alloc : memref<!tpu.dma_semaphore, #tpu.memory_space<semaphore_mem>>
      %dma_start3A_173 = arith.constant 0 : i32
      %dma_start3A_174 = tpu.memref_slice %arg6[%run_scoped3A, %dma_start3A_173] : memref<2x80xi32, #tpu.memory_space<vmem>> -> memref<1x80xi32, #tpu.memory_space<vmem>>
      %dma_start3A_175 = tpu.memref_squeeze %dma_start3A_174 : memref<1x80xi32, #tpu.memory_space<vmem>> -> memref<80xi32, #tpu.memory_space<vmem>>
      %dma_start3A_176 = arith.constant 0 : i32
      %dma_start3A_177 = arith.constant 0 : i32
      %dma_start3A_178 = tpu.memref_slice %arg12[%dma_start3A_176, %dma_start3A_177] : memref<10240x128xf32, #tpu.memory_space<vmem_shared>> -> memref<10240x128xf32, #tpu.memory_space<vmem_shared>>
      tpu.enqueue_indirect_dma source(%arg8 : memref<80x128xf32, #tpu.memory_space<vmem>>) target(%dma_start3A_178 : memref<10240x128xf32, #tpu.memory_space<vmem_shared>>) offsets(%dma_start3A_175 : memref<80xi32, #tpu.memory_space<vmem>>) semaphore(%run_scoped3A_172 : memref<!tpu.dma_semaphore, #tpu.memory_space<semaphore_mem>>) {add = true}
      %dma_wait3A_179 = arith.constant 0 : i32
      %dma_wait3A_180 = tpu.memref_slice %arg6[%run_scoped3A, %dma_wait3A_179] : memref<2x80xi32, #tpu.memory_space<vmem>> -> memref<1x80xi32, #tpu.memory_space<vmem>>
      %dma_wait3A_181 = tpu.memref_squeeze %dma_wait3A_180 : memref<1x80xi32, #tpu.memory_space<vmem>> -> memref<80xi32, #tpu.memory_space<vmem>>
      %dma_wait3A_182 = arith.constant 0 : i32
      %dma_wait3A_183 = arith.constant 0 : i32
      %dma_wait3A_184 = tpu.memref_slice %arg12[%dma_wait3A_182, %dma_wait3A_183] : memref<10240x128xf32, #tpu.memory_space<vmem_shared>> -> memref<10240x128xf32, #tpu.memory_space<vmem_shared>>
      tpu.wait_indirect_dma semaphore(%run_scoped3A_172 : memref<!tpu.dma_semaphore, #tpu.memory_space<semaphore_mem>>) src(%arg8 : memref<80x128xf32, #tpu.memory_space<vmem>>) dst(%dma_wait3A_184 : memref<10240x128xf32, #tpu.memory_space<vmem_shared>>)
      tpu.yield
    }) : () -> ()
    %barrier3A_169 = arith.constant 0 : index
    tpu.barrier barrier_id(%barrier3A_169)
    %mul3A_170 = arith.constant 640 : i32
    %mul3A_171 = arith.muli %arg1, %mul3A_170 : i32
    "tpu.region"() ({
      %run_scoped3A_172 = tpu.sem_alloc : memref<!tpu.dma_semaphore, #tpu.memory_space<semaphore_mem>>
      %dma_start3A_173 = arith.constant 0 : i32
      %dma_start3A_174 = arith.constant 0 : i32
      %dma_start3A_175 = tpu.memref_slice %arg4[%arg0, %dma_start3A_173, %dma_start3A_174] : memref<2x10240x128xf32, #tpu.memory_space<hbm>> -> memref<1x10240x128xf32, #tpu.memory_space<hbm>>
      %dma_start3A_176 = tpu.memref_squeeze %dma_start3A_175 : memref<1x10240x128xf32, #tpu.memory_space<hbm>> -> memref<10240x128xf32, #tpu.memory_space<hbm>>
      %dma_start3A_177 = arith.constant 0 : i32
      %dma_start3A_178 = tpu.memref_slice %dma_start3A_176[%mul3A_171, %dma_start3A_177] : memref<10240x128xf32, #tpu.memory_space<hbm>> -> memref<640x128xf32, #tpu.memory_space<hbm>>
      %dma_start3A_179 = arith.constant 0 : i32
      %dma_start3A_180 = tpu.memref_slice %arg12[%mul3A_171, %dma_start3A_179] : memref<10240x128xf32, #tpu.memory_space<vmem_shared>> -> memref<640x128xf32, #tpu.memory_space<vmem_shared>>
      tpu.enqueue_dma source(%dma_start3A_180 : memref<640x128xf32, #tpu.memory_space<vmem_shared>>) target(%dma_start3A_178 : memref<640x128xf32, #tpu.memory_space<hbm>>) target_semaphore(%run_scoped3A_172 : memref<!tpu.dma_semaphore, #tpu.memory_space<semaphore_mem>>)
      %dma_wait3A_181 = arith.constant 0 : i32
      %dma_wait3A_182 = arith.constant 0 : i32
      %dma_wait3A_183 = tpu.memref_slice %arg4[%arg0, %dma_wait3A_181, %dma_wait3A_182] : memref<2x10240x128xf32, #tpu.memory_space<hbm>> -> memref<1x10240x128xf32, #tpu.memory_space<hbm>>
      %dma_wait3A_184 = tpu.memref_squeeze %dma_wait3A_183 : memref<1x10240x128xf32, #tpu.memory_space<hbm>> -> memref<10240x128xf32, #tpu.memory_space<hbm>>
      %dma_wait3A_185 = arith.constant 0 : i32
      %dma_wait3A_186 = tpu.memref_slice %dma_wait3A_184[%mul3A_171, %dma_wait3A_185] : memref<10240x128xf32, #tpu.memory_space<hbm>> -> memref<640x128xf32, #tpu.memory_space<hbm>>
      %dma_wait3A_187 = arith.constant 0 : i32
      %dma_wait3A_188 = tpu.memref_slice %arg12[%mul3A_171, %dma_wait3A_187] : memref<10240x128xf32, #tpu.memory_space<vmem_shared>> -> memref<640x128xf32, #tpu.memory_space<vmem_shared>>
      tpu.wait_dma2 semaphore(%run_scoped3A_172 : memref<!tpu.dma_semaphore, #tpu.memory_space<semaphore_mem>>) src(%dma_wait3A_188 : memref<640x128xf32, #tpu.memory_space<vmem_shared>>) dst(%dma_wait3A_186 : memref<640x128xf32, #tpu.memory_space<hbm>>)
      tpu.yield
    }) : () -> ()
    return
  }
}

#map = affine_map<(d0, d1) -> (0, 0)>
#map1 = affine_map<(d0, d1) -> (0, 0, 0)>
module attributes {stable_mosaic.version = 14 : i64} {
  func.func @_v2e_body(%arg0: i32, %arg1: i32, %arg2: memref<10000x128xf32, #tpu.memory_space<hbm>>, %arg3: memref<32x125x80xi32, #tpu.memory_space<hbm>>, %arg4: memref<2x2560x128xf32, #tpu.memory_space<hbm>>, %arg5: memref<125x80xi32, #tpu.memory_space<vmem>>, %arg6: memref<125x80xi32, #tpu.memory_space<vmem>>, %arg7: memref<80x128xf32, #tpu.memory_space<vmem>>, %arg8: memref<80x128xf32, #tpu.memory_space<vmem>>, %arg9: memref<!tpu.dma_semaphore, #tpu.memory_space<semaphore_mem>>, %arg10: memref<!tpu.dma_semaphore, #tpu.memory_space<semaphore_mem>>, %arg11: memref<2560x128xf32, #tpu.memory_space<vmem_shared>>) attributes {dimension_semantics = [#tpu.dimension_semantics<core_parallel>, #tpu.dimension_semantics<subcore_parallel>], iteration_bounds = array<i64: 2, 16>, scalar_prefetch = 0 : i64, scratch_operands = 7 : i64, tpu.core_type = #tpu.core_type<sc_vector_subcore>, window_params = [{transform_indices = #map}, {transform_indices = #map1}, {transform_indices = #map1}]} {
    %mul3A = arith.constant 16 : i32
    %mul3A_0 = arith.muli %arg0, %mul3A : i32
    %add3A = arith.addi %mul3A_0, %arg1 : i32
    "tpu.region"() ({
      %run_scoped3A_44 = tpu.sem_alloc : memref<!tpu.dma_semaphore, #tpu.memory_space<semaphore_mem>>
      %dma_start3A_45 = arith.constant 0 : i32
      %dma_start3A_46 = arith.constant 0 : i32
      %dma_start3A_47 = tpu.memref_slice %arg3[%add3A, %dma_start3A_45, %dma_start3A_46] : memref<32x125x80xi32, #tpu.memory_space<hbm>> -> memref<1x125x80xi32, #tpu.memory_space<hbm>>
      %dma_start3A_48 = tpu.memref_squeeze %dma_start3A_47 : memref<1x125x80xi32, #tpu.memory_space<hbm>> -> memref<125x80xi32, #tpu.memory_space<hbm>>
      %dma_start3A_49 = arith.constant 0 : i32
      %dma_start3A_50 = arith.constant 0 : i32
      %dma_start3A_51 = tpu.memref_slice %arg3[%add3A, %dma_start3A_49, %dma_start3A_50] : memref<32x125x80xi32, #tpu.memory_space<hbm>> -> memref<1x125x80xi32, #tpu.memory_space<hbm>>
      %dma_start3A_52 = tpu.memref_squeeze %dma_start3A_51 : memref<1x125x80xi32, #tpu.memory_space<hbm>> -> memref<125x80xi32, #tpu.memory_space<hbm>>
      tpu.enqueue_dma source(%dma_start3A_52 : memref<125x80xi32, #tpu.memory_space<hbm>>) target(%arg6 : memref<125x80xi32, #tpu.memory_space<vmem>>) target_semaphore(%run_scoped3A_44 : memref<!tpu.dma_semaphore, #tpu.memory_space<semaphore_mem>>)
      %dma_wait3A_53 = arith.constant 0 : i32
      %dma_wait3A_54 = arith.constant 0 : i32
      %dma_wait3A_55 = tpu.memref_slice %arg3[%add3A, %dma_wait3A_53, %dma_wait3A_54] : memref<32x125x80xi32, #tpu.memory_space<hbm>> -> memref<1x125x80xi32, #tpu.memory_space<hbm>>
      %dma_wait3A_56 = tpu.memref_squeeze %dma_wait3A_55 : memref<1x125x80xi32, #tpu.memory_space<hbm>> -> memref<125x80xi32, #tpu.memory_space<hbm>>
      %dma_wait3A_57 = arith.constant 0 : i32
      %dma_wait3A_58 = arith.constant 0 : i32
      %dma_wait3A_59 = tpu.memref_slice %arg3[%add3A, %dma_wait3A_57, %dma_wait3A_58] : memref<32x125x80xi32, #tpu.memory_space<hbm>> -> memref<1x125x80xi32, #tpu.memory_space<hbm>>
      %dma_wait3A_60 = tpu.memref_squeeze %dma_wait3A_59 : memref<1x125x80xi32, #tpu.memory_space<hbm>> -> memref<125x80xi32, #tpu.memory_space<hbm>>
      tpu.wait_dma2 semaphore(%run_scoped3A_44 : memref<!tpu.dma_semaphore, #tpu.memory_space<semaphore_mem>>) src(%dma_wait3A_60 : memref<125x80xi32, #tpu.memory_space<hbm>>) dst(%arg6 : memref<125x80xi32, #tpu.memory_space<vmem>>)
      tpu.yield
    }) : () -> ()
    %scan3A = arith.constant 0 : i32
    %scan3A_1 = arith.constant 0 : i32
    %scan3A_2 = arith.constant 125 : i32
    %scan3A_3 = arith.addi %scan3A_1, %scan3A_2 : i32
    %scan3A_4 = arith.constant 1 : i32
    %scan3A_5 = scf.for %scan3A_44 = %scan3A_1 to %scan3A_3 step %scan3A_4 iter_args(%scan3A_45 = %scan3A) -> (i32)  : i32 {
      %get3A = arith.index_cast %scan3A_44 : i32 to index
      %get3A_46 = arith.constant 0 : index
      %get3A_47 = tpu.vector_load %arg6[%get3A, %get3A_46] {strides = array<i32>} : memref<125x80xi32, #tpu.memory_space<vmem>>, vector<1x16xi32>,
      %get3A_48 = vector.shape_cast %get3A_47 : vector<1x16xi32> to vector<16xi32>
      %shift_right_logical3A = arith.constant 12 : i32
      %shift_right_logical3A_49 = vector.broadcast %shift_right_logical3A : i32 to vector<16xi32>
      %shift_right_logical3A_50 = arith.shrui %get3A_48, %shift_right_logical3A_49 : vector<16xi32>
      %swap3A = arith.index_cast %scan3A_44 : i32 to index
      %swap3A_51 = arith.constant 0 : index
      %swap3A_52 = tpu.vector_load %arg5[%swap3A, %swap3A_51] {strides = array<i32>} : memref<125x80xi32, #tpu.memory_space<vmem>>, vector<1x16xi32>,
      %swap3A_53 = vector.shape_cast %swap3A_52 : vector<1x16xi32> to vector<16xi32>
      %swap3A_54 = vector.shape_cast %shift_right_logical3A_50 : vector<16xi32> to vector<1x16xi32>
      tpu.vector_store %arg5[%swap3A, %swap3A_51], %swap3A_54 {strides = array<i32>} : memref<125x80xi32, #tpu.memory_space<vmem>>, vector<1x16xi32>,
      %and3A = arith.constant 4095 : i32
      %and3A_55 = vector.broadcast %and3A : i32 to vector<16xi32>
      %and3A_56 = arith.andi %get3A_48, %and3A_55 : vector<16xi32>
      %swap3A_57 = arith.index_cast %scan3A_44 : i32 to index
      %swap3A_58 = arith.constant 0 : index
      %swap3A_59 = tpu.vector_load %arg6[%swap3A_57, %swap3A_58] {strides = array<i32>} : memref<125x80xi32, #tpu.memory_space<vmem>>, vector<1x16xi32>,
      %swap3A_60 = vector.shape_cast %swap3A_59 : vector<1x16xi32> to vector<16xi32>
      %swap3A_61 = vector.shape_cast %and3A_56 : vector<16xi32> to vector<1x16xi32>
      tpu.vector_store %arg6[%swap3A_57, %swap3A_58], %swap3A_61 {strides = array<i32>} : memref<125x80xi32, #tpu.memory_space<vmem>>, vector<1x16xi32>,
      %get3A_62 = arith.index_cast %scan3A_44 : i32 to index
      %get3A_63 = arith.constant 16 : index
      %get3A_64 = tpu.vector_load %arg6[%get3A_62, %get3A_63] {strides = array<i32>} : memref<125x80xi32, #tpu.memory_space<vmem>>, vector<1x16xi32>,
      %get3A_65 = vector.shape_cast %get3A_64 : vector<1x16xi32> to vector<16xi32>
      %shift_right_logical3A_66 = arith.constant 12 : i32
      %shift_right_logical3A_67 = vector.broadcast %shift_right_logical3A_66 : i32 to vector<16xi32>
      %shift_right_logical3A_68 = arith.shrui %get3A_65, %shift_right_logical3A_67 : vector<16xi32>
      %swap3A_69 = arith.index_cast %scan3A_44 : i32 to index
      %swap3A_70 = arith.constant 16 : index
      %swap3A_71 = tpu.vector_load %arg5[%swap3A_69, %swap3A_70] {strides = array<i32>} : memref<125x80xi32, #tpu.memory_space<vmem>>, vector<1x16xi32>,
      %swap3A_72 = vector.shape_cast %swap3A_71 : vector<1x16xi32> to vector<16xi32>
      %swap3A_73 = vector.shape_cast %shift_right_logical3A_68 : vector<16xi32> to vector<1x16xi32>
      tpu.vector_store %arg5[%swap3A_69, %swap3A_70], %swap3A_73 {strides = array<i32>} : memref<125x80xi32, #tpu.memory_space<vmem>>, vector<1x16xi32>,
      %and3A_74 = arith.constant 4095 : i32
      %and3A_75 = vector.broadcast %and3A_74 : i32 to vector<16xi32>
      %and3A_76 = arith.andi %get3A_65, %and3A_75 : vector<16xi32>
      %swap3A_77 = arith.index_cast %scan3A_44 : i32 to index
      %swap3A_78 = arith.constant 16 : index
      %swap3A_79 = tpu.vector_load %arg6[%swap3A_77, %swap3A_78] {strides = array<i32>} : memref<125x80xi32, #tpu.memory_space<vmem>>, vector<1x16xi32>,
      %swap3A_80 = vector.shape_cast %swap3A_79 : vector<1x16xi32> to vector<16xi32>
      %swap3A_81 = vector.shape_cast %and3A_76 : vector<16xi32> to vector<1x16xi32>
      tpu.vector_store %arg6[%swap3A_77, %swap3A_78], %swap3A_81 {strides = array<i32>} : memref<125x80xi32, #tpu.memory_space<vmem>>, vector<1x16xi32>,
      %get3A_82 = arith.index_cast %scan3A_44 : i32 to index
      %get3A_83 = arith.constant 32 : index
      %get3A_84 = tpu.vector_load %arg6[%get3A_82, %get3A_83] {strides = array<i32>} : memref<125x80xi32, #tpu.memory_space<vmem>>, vector<1x16xi32>,
      %get3A_85 = vector.shape_cast %get3A_84 : vector<1x16xi32> to vector<16xi32>
      %shift_right_logical3A_86 = arith.constant 12 : i32
      %shift_right_logical3A_87 = vector.broadcast %shift_right_logical3A_86 : i32 to vector<16xi32>
      %shift_right_logical3A_88 = arith.shrui %get3A_85, %shift_right_logical3A_87 : vector<16xi32>
      %swap3A_89 = arith.index_cast %scan3A_44 : i32 to index
      %swap3A_90 = arith.constant 32 : index
      %swap3A_91 = tpu.vector_load %arg5[%swap3A_89, %swap3A_90] {strides = array<i32>} : memref<125x80xi32, #tpu.memory_space<vmem>>, vector<1x16xi32>,
      %swap3A_92 = vector.shape_cast %swap3A_91 : vector<1x16xi32> to vector<16xi32>
      %swap3A_93 = vector.shape_cast %shift_right_logical3A_88 : vector<16xi32> to vector<1x16xi32>
      tpu.vector_store %arg5[%swap3A_89, %swap3A_90], %swap3A_93 {strides = array<i32>} : memref<125x80xi32, #tpu.memory_space<vmem>>, vector<1x16xi32>,
      %and3A_94 = arith.constant 4095 : i32
      %and3A_95 = vector.broadcast %and3A_94 : i32 to vector<16xi32>
      %and3A_96 = arith.andi %get3A_85, %and3A_95 : vector<16xi32>
      %swap3A_97 = arith.index_cast %scan3A_44 : i32 to index
      %swap3A_98 = arith.constant 32 : index
      %swap3A_99 = tpu.vector_load %arg6[%swap3A_97, %swap3A_98] {strides = array<i32>} : memref<125x80xi32, #tpu.memory_space<vmem>>, vector<1x16xi32>,
      %swap3A_100 = vector.shape_cast %swap3A_99 : vector<1x16xi32> to vector<16xi32>
      %swap3A_101 = vector.shape_cast %and3A_96 : vector<16xi32> to vector<1x16xi32>
      tpu.vector_store %arg6[%swap3A_97, %swap3A_98], %swap3A_101 {strides = array<i32>} : memref<125x80xi32, #tpu.memory_space<vmem>>, vector<1x16xi32>,
      %get3A_102 = arith.index_cast %scan3A_44 : i32 to index
      %get3A_103 = arith.constant 48 : index
      %get3A_104 = tpu.vector_load %arg6[%get3A_102, %get3A_103] {strides = array<i32>} : memref<125x80xi32, #tpu.memory_space<vmem>>, vector<1x16xi32>,
      %get3A_105 = vector.shape_cast %get3A_104 : vector<1x16xi32> to vector<16xi32>
      %shift_right_logical3A_106 = arith.constant 12 : i32
      %shift_right_logical3A_107 = vector.broadcast %shift_right_logical3A_106 : i32 to vector<16xi32>
      %shift_right_logical3A_108 = arith.shrui %get3A_105, %shift_right_logical3A_107 : vector<16xi32>
      %swap3A_109 = arith.index_cast %scan3A_44 : i32 to index
      %swap3A_110 = arith.constant 48 : index
      %swap3A_111 = tpu.vector_load %arg5[%swap3A_109, %swap3A_110] {strides = array<i32>} : memref<125x80xi32, #tpu.memory_space<vmem>>, vector<1x16xi32>,
      %swap3A_112 = vector.shape_cast %swap3A_111 : vector<1x16xi32> to vector<16xi32>
      %swap3A_113 = vector.shape_cast %shift_right_logical3A_108 : vector<16xi32> to vector<1x16xi32>
      tpu.vector_store %arg5[%swap3A_109, %swap3A_110], %swap3A_113 {strides = array<i32>} : memref<125x80xi32, #tpu.memory_space<vmem>>, vector<1x16xi32>,
      %and3A_114 = arith.constant 4095 : i32
      %and3A_115 = vector.broadcast %and3A_114 : i32 to vector<16xi32>
      %and3A_116 = arith.andi %get3A_105, %and3A_115 : vector<16xi32>
      %swap3A_117 = arith.index_cast %scan3A_44 : i32 to index
      %swap3A_118 = arith.constant 48 : index
      %swap3A_119 = tpu.vector_load %arg6[%swap3A_117, %swap3A_118] {strides = array<i32>} : memref<125x80xi32, #tpu.memory_space<vmem>>, vector<1x16xi32>,
      %swap3A_120 = vector.shape_cast %swap3A_119 : vector<1x16xi32> to vector<16xi32>
      %swap3A_121 = vector.shape_cast %and3A_116 : vector<16xi32> to vector<1x16xi32>
      tpu.vector_store %arg6[%swap3A_117, %swap3A_118], %swap3A_121 {strides = array<i32>} : memref<125x80xi32, #tpu.memory_space<vmem>>, vector<1x16xi32>,
      %get3A_122 = arith.index_cast %scan3A_44 : i32 to index
      %get3A_123 = arith.constant 64 : index
      %get3A_124 = tpu.vector_load %arg6[%get3A_122, %get3A_123] {strides = array<i32>} : memref<125x80xi32, #tpu.memory_space<vmem>>, vector<1x16xi32>,
      %get3A_125 = vector.shape_cast %get3A_124 : vector<1x16xi32> to vector<16xi32>
      %shift_right_logical3A_126 = arith.constant 12 : i32
      %shift_right_logical3A_127 = vector.broadcast %shift_right_logical3A_126 : i32 to vector<16xi32>
      %shift_right_logical3A_128 = arith.shrui %get3A_125, %shift_right_logical3A_127 : vector<16xi32>
      %swap3A_129 = arith.index_cast %scan3A_44 : i32 to index
      %swap3A_130 = arith.constant 64 : index
      %swap3A_131 = tpu.vector_load %arg5[%swap3A_129, %swap3A_130] {strides = array<i32>} : memref<125x80xi32, #tpu.memory_space<vmem>>, vector<1x16xi32>,
      %swap3A_132 = vector.shape_cast %swap3A_131 : vector<1x16xi32> to vector<16xi32>
      %swap3A_133 = vector.shape_cast %shift_right_logical3A_128 : vector<16xi32> to vector<1x16xi32>
      tpu.vector_store %arg5[%swap3A_129, %swap3A_130], %swap3A_133 {strides = array<i32>} : memref<125x80xi32, #tpu.memory_space<vmem>>, vector<1x16xi32>,
      %and3A_134 = arith.constant 4095 : i32
      %and3A_135 = vector.broadcast %and3A_134 : i32 to vector<16xi32>
      %and3A_136 = arith.andi %get3A_125, %and3A_135 : vector<16xi32>
      %swap3A_137 = arith.index_cast %scan3A_44 : i32 to index
      %swap3A_138 = arith.constant 64 : index
      %swap3A_139 = tpu.vector_load %arg6[%swap3A_137, %swap3A_138] {strides = array<i32>} : memref<125x80xi32, #tpu.memory_space<vmem>>, vector<1x16xi32>,
      %swap3A_140 = vector.shape_cast %swap3A_139 : vector<1x16xi32> to vector<16xi32>
      %swap3A_141 = vector.shape_cast %and3A_136 : vector<16xi32> to vector<1x16xi32>
      tpu.vector_store %arg6[%swap3A_137, %swap3A_138], %swap3A_141 {strides = array<i32>} : memref<125x80xi32, #tpu.memory_space<vmem>>, vector<1x16xi32>,
      %scan3A_142 = arith.constant 0 : i32
      scf.yield %scan3A_142 : i32
    }
    %scan3A_6 = arith.constant 125 : i32
    %scan3A_7 = arith.constant 0 : i32
    %scan3A_8 = arith.constant 0 : i32
    %scan3A_9 = arith.constant 80 : i32
    %scan3A_10 = arith.addi %scan3A_8, %scan3A_9 : i32
    %scan3A_11 = arith.constant 1 : i32
    %scan3A_12 = scf.for %scan3A_44 = %scan3A_8 to %scan3A_10 step %scan3A_11 iter_args(%scan3A_45 = %scan3A_7) -> (i32)  : i32 {
      %broadcast_in_dim3A = arith.constant 0.000000e+00 : f32
      %broadcast_in_dim3A_46 = vector.broadcast %broadcast_in_dim3A : f32 to vector<16xf32>
      %swap3A = arith.index_cast %scan3A_44 : i32 to index
      %swap3A_47 = arith.constant 0 : index
      %swap3A_48 = tpu.vector_load %arg7[%swap3A, %swap3A_47] {strides = array<i32>} : memref<80x128xf32, #tpu.memory_space<vmem>>, vector<1x16xf32>,
      %swap3A_49 = vector.shape_cast %swap3A_48 : vector<1x16xf32> to vector<16xf32>
      %swap3A_50 = vector.shape_cast %broadcast_in_dim3A_46 : vector<16xf32> to vector<1x16xf32>
      tpu.vector_store %arg7[%swap3A, %swap3A_47], %swap3A_50 {strides = array<i32>} : memref<80x128xf32, #tpu.memory_space<vmem>>, vector<1x16xf32>,
      %broadcast_in_dim3A_51 = arith.constant 0.000000e+00 : f32
      %broadcast_in_dim3A_52 = vector.broadcast %broadcast_in_dim3A_51 : f32 to vector<16xf32>
      %swap3A_53 = arith.index_cast %scan3A_44 : i32 to index
      %swap3A_54 = arith.constant 16 : index
      %swap3A_55 = tpu.vector_load %arg7[%swap3A_53, %swap3A_54] {strides = array<i32>} : memref<80x128xf32, #tpu.memory_space<vmem>>, vector<1x16xf32>,
      %swap3A_56 = vector.shape_cast %swap3A_55 : vector<1x16xf32> to vector<16xf32>
      %swap3A_57 = vector.shape_cast %broadcast_in_dim3A_52 : vector<16xf32> to vector<1x16xf32>
      tpu.vector_store %arg7[%swap3A_53, %swap3A_54], %swap3A_57 {strides = array<i32>} : memref<80x128xf32, #tpu.memory_space<vmem>>, vector<1x16xf32>,
      %broadcast_in_dim3A_58 = arith.constant 0.000000e+00 : f32
      %broadcast_in_dim3A_59 = vector.broadcast %broadcast_in_dim3A_58 : f32 to vector<16xf32>
      %swap3A_60 = arith.index_cast %scan3A_44 : i32 to index
      %swap3A_61 = arith.constant 32 : index
      %swap3A_62 = tpu.vector_load %arg7[%swap3A_60, %swap3A_61] {strides = array<i32>} : memref<80x128xf32, #tpu.memory_space<vmem>>, vector<1x16xf32>,
      %swap3A_63 = vector.shape_cast %swap3A_62 : vector<1x16xf32> to vector<16xf32>
      %swap3A_64 = vector.shape_cast %broadcast_in_dim3A_59 : vector<16xf32> to vector<1x16xf32>
      tpu.vector_store %arg7[%swap3A_60, %swap3A_61], %swap3A_64 {strides = array<i32>} : memref<80x128xf32, #tpu.memory_space<vmem>>, vector<1x16xf32>,
      %broadcast_in_dim3A_65 = arith.constant 0.000000e+00 : f32
      %broadcast_in_dim3A_66 = vector.broadcast %broadcast_in_dim3A_65 : f32 to vector<16xf32>
      %swap3A_67 = arith.index_cast %scan3A_44 : i32 to index
      %swap3A_68 = arith.constant 48 : index
      %swap3A_69 = tpu.vector_load %arg7[%swap3A_67, %swap3A_68] {strides = array<i32>} : memref<80x128xf32, #tpu.memory_space<vmem>>, vector<1x16xf32>,
      %swap3A_70 = vector.shape_cast %swap3A_69 : vector<1x16xf32> to vector<16xf32>
      %swap3A_71 = vector.shape_cast %broadcast_in_dim3A_66 : vector<16xf32> to vector<1x16xf32>
      tpu.vector_store %arg7[%swap3A_67, %swap3A_68], %swap3A_71 {strides = array<i32>} : memref<80x128xf32, #tpu.memory_space<vmem>>, vector<1x16xf32>,
      %broadcast_in_dim3A_72 = arith.constant 0.000000e+00 : f32
      %broadcast_in_dim3A_73 = vector.broadcast %broadcast_in_dim3A_72 : f32 to vector<16xf32>
      %swap3A_74 = arith.index_cast %scan3A_44 : i32 to index
      %swap3A_75 = arith.constant 64 : index
      %swap3A_76 = tpu.vector_load %arg7[%swap3A_74, %swap3A_75] {strides = array<i32>} : memref<80x128xf32, #tpu.memory_space<vmem>>, vector<1x16xf32>,
      %swap3A_77 = vector.shape_cast %swap3A_76 : vector<1x16xf32> to vector<16xf32>
      %swap3A_78 = vector.shape_cast %broadcast_in_dim3A_73 : vector<16xf32> to vector<1x16xf32>
      tpu.vector_store %arg7[%swap3A_74, %swap3A_75], %swap3A_78 {strides = array<i32>} : memref<80x128xf32, #tpu.memory_space<vmem>>, vector<1x16xf32>,
      %broadcast_in_dim3A_79 = arith.constant 0.000000e+00 : f32
      %broadcast_in_dim3A_80 = vector.broadcast %broadcast_in_dim3A_79 : f32 to vector<16xf32>
      %swap3A_81 = arith.index_cast %scan3A_44 : i32 to index
      %swap3A_82 = arith.constant 80 : index
      %swap3A_83 = tpu.vector_load %arg7[%swap3A_81, %swap3A_82] {strides = array<i32>} : memref<80x128xf32, #tpu.memory_space<vmem>>, vector<1x16xf32>,
      %swap3A_84 = vector.shape_cast %swap3A_83 : vector<1x16xf32> to vector<16xf32>
      %swap3A_85 = vector.shape_cast %broadcast_in_dim3A_80 : vector<16xf32> to vector<1x16xf32>
      tpu.vector_store %arg7[%swap3A_81, %swap3A_82], %swap3A_85 {strides = array<i32>} : memref<80x128xf32, #tpu.memory_space<vmem>>, vector<1x16xf32>,
      %broadcast_in_dim3A_86 = arith.constant 0.000000e+00 : f32
      %broadcast_in_dim3A_87 = vector.broadcast %broadcast_in_dim3A_86 : f32 to vector<16xf32>
      %swap3A_88 = arith.index_cast %scan3A_44 : i32 to index
      %swap3A_89 = arith.constant 96 : index
      %swap3A_90 = tpu.vector_load %arg7[%swap3A_88, %swap3A_89] {strides = array<i32>} : memref<80x128xf32, #tpu.memory_space<vmem>>, vector<1x16xf32>,
      %swap3A_91 = vector.shape_cast %swap3A_90 : vector<1x16xf32> to vector<16xf32>
      %swap3A_92 = vector.shape_cast %broadcast_in_dim3A_87 : vector<16xf32> to vector<1x16xf32>
      tpu.vector_store %arg7[%swap3A_88, %swap3A_89], %swap3A_92 {strides = array<i32>} : memref<80x128xf32, #tpu.memory_space<vmem>>, vector<1x16xf32>,
      %broadcast_in_dim3A_93 = arith.constant 0.000000e+00 : f32
      %broadcast_in_dim3A_94 = vector.broadcast %broadcast_in_dim3A_93 : f32 to vector<16xf32>
      %swap3A_95 = arith.index_cast %scan3A_44 : i32 to index
      %swap3A_96 = arith.constant 112 : index
      %swap3A_97 = tpu.vector_load %arg7[%swap3A_95, %swap3A_96] {strides = array<i32>} : memref<80x128xf32, #tpu.memory_space<vmem>>, vector<1x16xf32>,
      %swap3A_98 = vector.shape_cast %swap3A_97 : vector<1x16xf32> to vector<16xf32>
      %swap3A_99 = vector.shape_cast %broadcast_in_dim3A_94 : vector<16xf32> to vector<1x16xf32>
      tpu.vector_store %arg7[%swap3A_95, %swap3A_96], %swap3A_99 {strides = array<i32>} : memref<80x128xf32, #tpu.memory_space<vmem>>, vector<1x16xf32>,
      %scan3A_100 = arith.constant 0 : i32
      scf.yield %scan3A_100 : i32
    }
    %scan3A_13 = arith.constant 80 : i32
    %mul3A_14 = arith.constant 160 : i32
    %mul3A_15 = arith.muli %arg1, %mul3A_14 : i32
    %add3A_16 = arith.constant 0 : i32
    %add3A_17 = arith.addi %mul3A_15, %add3A_16 : i32
    "tpu.region"() ({
      %run_scoped3A_44 = tpu.sem_alloc : memref<!tpu.dma_semaphore, #tpu.memory_space<semaphore_mem>>
      %dma_start3A_45 = arith.constant 0 : i32
      %dma_start3A_46 = tpu.memref_slice %arg11[%add3A_17, %dma_start3A_45] : memref<2560x128xf32, #tpu.memory_space<vmem_shared>> -> memref<80x128xf32, #tpu.memory_space<vmem_shared>>
      %dma_start3A_47 = arith.constant 0 : i32
      %dma_start3A_48 = tpu.memref_slice %arg11[%add3A_17, %dma_start3A_47] : memref<2560x128xf32, #tpu.memory_space<vmem_shared>> -> memref<80x128xf32, #tpu.memory_space<vmem_shared>>
      tpu.enqueue_dma source(%arg7 : memref<80x128xf32, #tpu.memory_space<vmem>>) target(%dma_start3A_48 : memref<80x128xf32, #tpu.memory_space<vmem_shared>>) target_semaphore(%run_scoped3A_44 : memref<!tpu.dma_semaphore, #tpu.memory_space<semaphore_mem>>)
      %dma_wait3A_49 = arith.constant 0 : i32
      %dma_wait3A_50 = tpu.memref_slice %arg11[%add3A_17, %dma_wait3A_49] : memref<2560x128xf32, #tpu.memory_space<vmem_shared>> -> memref<80x128xf32, #tpu.memory_space<vmem_shared>>
      %dma_wait3A_51 = arith.constant 0 : i32
      %dma_wait3A_52 = tpu.memref_slice %arg11[%add3A_17, %dma_wait3A_51] : memref<2560x128xf32, #tpu.memory_space<vmem_shared>> -> memref<80x128xf32, #tpu.memory_space<vmem_shared>>
      tpu.wait_dma2 semaphore(%run_scoped3A_44 : memref<!tpu.dma_semaphore, #tpu.memory_space<semaphore_mem>>) src(%arg7 : memref<80x128xf32, #tpu.memory_space<vmem>>) dst(%dma_wait3A_52 : memref<80x128xf32, #tpu.memory_space<vmem_shared>>)
      tpu.yield
    }) : () -> ()
    %mul3A_18 = arith.constant 160 : i32
    %mul3A_19 = arith.muli %arg1, %mul3A_18 : i32
    %add3A_20 = arith.constant 80 : i32
    %add3A_21 = arith.addi %mul3A_19, %add3A_20 : i32
    "tpu.region"() ({
      %run_scoped3A_44 = tpu.sem_alloc : memref<!tpu.dma_semaphore, #tpu.memory_space<semaphore_mem>>
      %dma_start3A_45 = arith.constant 0 : i32
      %dma_start3A_46 = tpu.memref_slice %arg11[%add3A_21, %dma_start3A_45] : memref<2560x128xf32, #tpu.memory_space<vmem_shared>> -> memref<80x128xf32, #tpu.memory_space<vmem_shared>>
      %dma_start3A_47 = arith.constant 0 : i32
      %dma_start3A_48 = tpu.memref_slice %arg11[%add3A_21, %dma_start3A_47] : memref<2560x128xf32, #tpu.memory_space<vmem_shared>> -> memref<80x128xf32, #tpu.memory_space<vmem_shared>>
      tpu.enqueue_dma source(%arg7 : memref<80x128xf32, #tpu.memory_space<vmem>>) target(%dma_start3A_48 : memref<80x128xf32, #tpu.memory_space<vmem_shared>>) target_semaphore(%run_scoped3A_44 : memref<!tpu.dma_semaphore, #tpu.memory_space<semaphore_mem>>)
      %dma_wait3A_49 = arith.constant 0 : i32
      %dma_wait3A_50 = tpu.memref_slice %arg11[%add3A_21, %dma_wait3A_49] : memref<2560x128xf32, #tpu.memory_space<vmem_shared>> -> memref<80x128xf32, #tpu.memory_space<vmem_shared>>
      %dma_wait3A_51 = arith.constant 0 : i32
      %dma_wait3A_52 = tpu.memref_slice %arg11[%add3A_21, %dma_wait3A_51] : memref<2560x128xf32, #tpu.memory_space<vmem_shared>> -> memref<80x128xf32, #tpu.memory_space<vmem_shared>>
      tpu.wait_dma2 semaphore(%run_scoped3A_44 : memref<!tpu.dma_semaphore, #tpu.memory_space<semaphore_mem>>) src(%arg7 : memref<80x128xf32, #tpu.memory_space<vmem>>) dst(%dma_wait3A_52 : memref<80x128xf32, #tpu.memory_space<vmem_shared>>)
      tpu.yield
    }) : () -> ()
    %barrier3A = arith.constant 0 : index
    tpu.barrier barrier_id(%barrier3A)
    %dma_start3A = arith.constant 0 : i32
    %dma_start3A_22 = arith.constant 0 : i32
    %dma_start3A_23 = tpu.memref_slice %arg5[%dma_start3A, %dma_start3A_22] : memref<125x80xi32, #tpu.memory_space<vmem>> -> memref<1x80xi32, #tpu.memory_space<vmem>>
    %dma_start3A_24 = tpu.memref_squeeze %dma_start3A_23 : memref<1x80xi32, #tpu.memory_space<vmem>> -> memref<80xi32, #tpu.memory_space<vmem>>
    %dma_start3A_25 = arith.constant 0 : i32
    %dma_start3A_26 = arith.constant 0 : i32
    %dma_start3A_27 = tpu.memref_slice %arg2[%dma_start3A_25, %dma_start3A_26] : memref<10000x128xf32, #tpu.memory_space<hbm>> -> memref<10000x128xf32, #tpu.memory_space<hbm>>
    tpu.enqueue_indirect_dma source(%dma_start3A_27 : memref<10000x128xf32, #tpu.memory_space<hbm>>) target(%arg7 : memref<80x128xf32, #tpu.memory_space<vmem>>) offsets(%dma_start3A_24 : memref<80xi32, #tpu.memory_space<vmem>>) semaphore(%arg9 : memref<!tpu.dma_semaphore, #tpu.memory_space<semaphore_mem>>)
    %scan3A_28 = arith.constant 0 : i32
    %scan3A_29 = arith.constant 0 : i32
    %scan3A_30 = arith.constant 62 : i32
    %scan3A_31 = arith.addi %scan3A_29, %scan3A_30 : i32
    %scan3A_32 = arith.constant 1 : i32
    %scan3A_33 = scf.for %scan3A_44 = %scan3A_29 to %scan3A_31 step %scan3A_32 iter_args(%scan3A_45 = %scan3A_28) -> (i32)  : i32 {
      %mul3A_46 = arith.constant 2 : i32
      %mul3A_47 = arith.muli %mul3A_46, %scan3A_44 : i32
      %add3A_48 = arith.constant 1 : i32
      %add3A_49 = arith.addi %mul3A_47, %add3A_48 : i32
      %dma_start3A_50 = arith.constant 0 : i32
      %dma_start3A_51 = tpu.memref_slice %arg5[%add3A_49, %dma_start3A_50] : memref<125x80xi32, #tpu.memory_space<vmem>> -> memref<1x80xi32, #tpu.memory_space<vmem>>
      %dma_start3A_52 = tpu.memref_squeeze %dma_start3A_51 : memref<1x80xi32, #tpu.memory_space<vmem>> -> memref<80xi32, #tpu.memory_space<vmem>>
      %dma_start3A_53 = arith.constant 0 : i32
      %dma_start3A_54 = arith.constant 0 : i32
      %dma_start3A_55 = tpu.memref_slice %arg2[%dma_start3A_53, %dma_start3A_54] : memref<10000x128xf32, #tpu.memory_space<hbm>> -> memref<10000x128xf32, #tpu.memory_space<hbm>>
      tpu.enqueue_indirect_dma source(%dma_start3A_55 : memref<10000x128xf32, #tpu.memory_space<hbm>>) target(%arg8 : memref<80x128xf32, #tpu.memory_space<vmem>>) offsets(%dma_start3A_52 : memref<80xi32, #tpu.memory_space<vmem>>) semaphore(%arg10 : memref<!tpu.dma_semaphore, #tpu.memory_space<semaphore_mem>>)
      %dma_wait3A_56 = arith.constant 0 : i32
      %dma_wait3A_57 = tpu.memref_slice %arg5[%mul3A_47, %dma_wait3A_56] : memref<125x80xi32, #tpu.memory_space<vmem>> -> memref<1x80xi32, #tpu.memory_space<vmem>>
      %dma_wait3A_58 = tpu.memref_squeeze %dma_wait3A_57 : memref<1x80xi32, #tpu.memory_space<vmem>> -> memref<80xi32, #tpu.memory_space<vmem>>
      %dma_wait3A_59 = arith.constant 0 : i32
      %dma_wait3A_60 = arith.constant 0 : i32
      %dma_wait3A_61 = tpu.memref_slice %arg2[%dma_wait3A_59, %dma_wait3A_60] : memref<10000x128xf32, #tpu.memory_space<hbm>> -> memref<10000x128xf32, #tpu.memory_space<hbm>>
      tpu.wait_indirect_dma semaphore(%arg9 : memref<!tpu.dma_semaphore, #tpu.memory_space<semaphore_mem>>) src(%dma_wait3A_61 : memref<10000x128xf32, #tpu.memory_space<hbm>>) dst(%arg7 : memref<80x128xf32, #tpu.memory_space<vmem>>)
      "tpu.region"() ({
        %run_scoped3A_81 = tpu.sem_alloc : memref<!tpu.dma_semaphore, #tpu.memory_space<semaphore_mem>>
        %dma_start3A_82 = arith.constant 0 : i32
        %dma_start3A_83 = tpu.memref_slice %arg6[%mul3A_47, %dma_start3A_82] : memref<125x80xi32, #tpu.memory_space<vmem>> -> memref<1x80xi32, #tpu.memory_space<vmem>>
        %dma_start3A_84 = tpu.memref_squeeze %dma_start3A_83 : memref<1x80xi32, #tpu.memory_space<vmem>> -> memref<80xi32, #tpu.memory_space<vmem>>
        %dma_start3A_85 = arith.constant 0 : i32
        %dma_start3A_86 = arith.constant 0 : i32
        %dma_start3A_87 = tpu.memref_slice %arg11[%dma_start3A_85, %dma_start3A_86] : memref<2560x128xf32, #tpu.memory_space<vmem_shared>> -> memref<2560x128xf32, #tpu.memory_space<vmem_shared>>
        tpu.enqueue_indirect_dma source(%arg7 : memref<80x128xf32, #tpu.memory_space<vmem>>) target(%dma_start3A_87 : memref<2560x128xf32, #tpu.memory_space<vmem_shared>>) offsets(%dma_start3A_84 : memref<80xi32, #tpu.memory_space<vmem>>) semaphore(%run_scoped3A_81 : memref<!tpu.dma_semaphore, #tpu.memory_space<semaphore_mem>>) {add = true}
        %dma_wait3A_88 = arith.constant 0 : i32
        %dma_wait3A_89 = tpu.memref_slice %arg6[%mul3A_47, %dma_wait3A_88] : memref<125x80xi32, #tpu.memory_space<vmem>> -> memref<1x80xi32, #tpu.memory_space<vmem>>
        %dma_wait3A_90 = tpu.memref_squeeze %dma_wait3A_89 : memref<1x80xi32, #tpu.memory_space<vmem>> -> memref<80xi32, #tpu.memory_space<vmem>>
        %dma_wait3A_91 = arith.constant 0 : i32
        %dma_wait3A_92 = arith.constant 0 : i32
        %dma_wait3A_93 = tpu.memref_slice %arg11[%dma_wait3A_91, %dma_wait3A_92] : memref<2560x128xf32, #tpu.memory_space<vmem_shared>> -> memref<2560x128xf32, #tpu.memory_space<vmem_shared>>
        tpu.wait_indirect_dma semaphore(%run_scoped3A_81 : memref<!tpu.dma_semaphore, #tpu.memory_space<semaphore_mem>>) src(%arg7 : memref<80x128xf32, #tpu.memory_space<vmem>>) dst(%dma_wait3A_93 : memref<2560x128xf32, #tpu.memory_space<vmem_shared>>)
        tpu.yield
      }) : () -> ()
      %add3A_62 = arith.constant 2 : i32
      %add3A_63 = arith.addi %mul3A_47, %add3A_62 : i32
      %dma_start3A_64 = arith.constant 0 : i32
      %dma_start3A_65 = tpu.memref_slice %arg5[%add3A_63, %dma_start3A_64] : memref<125x80xi32, #tpu.memory_space<vmem>> -> memref<1x80xi32, #tpu.memory_space<vmem>>
      %dma_start3A_66 = tpu.memref_squeeze %dma_start3A_65 : memref<1x80xi32, #tpu.memory_space<vmem>> -> memref<80xi32, #tpu.memory_space<vmem>>
      %dma_start3A_67 = arith.constant 0 : i32
      %dma_start3A_68 = arith.constant 0 : i32
      %dma_start3A_69 = tpu.memref_slice %arg2[%dma_start3A_67, %dma_start3A_68] : memref<10000x128xf32, #tpu.memory_space<hbm>> -> memref<10000x128xf32, #tpu.memory_space<hbm>>
      tpu.enqueue_indirect_dma source(%dma_start3A_69 : memref<10000x128xf32, #tpu.memory_space<hbm>>) target(%arg7 : memref<80x128xf32, #tpu.memory_space<vmem>>) offsets(%dma_start3A_66 : memref<80xi32, #tpu.memory_space<vmem>>) semaphore(%arg9 : memref<!tpu.dma_semaphore, #tpu.memory_space<semaphore_mem>>)
      %add3A_70 = arith.constant 1 : i32
      %add3A_71 = arith.addi %mul3A_47, %add3A_70 : i32
      %dma_wait3A_72 = arith.constant 0 : i32
      %dma_wait3A_73 = tpu.memref_slice %arg5[%add3A_71, %dma_wait3A_72] : memref<125x80xi32, #tpu.memory_space<vmem>> -> memref<1x80xi32, #tpu.memory_space<vmem>>
      %dma_wait3A_74 = tpu.memref_squeeze %dma_wait3A_73 : memref<1x80xi32, #tpu.memory_space<vmem>> -> memref<80xi32, #tpu.memory_space<vmem>>
      %dma_wait3A_75 = arith.constant 0 : i32
      %dma_wait3A_76 = arith.constant 0 : i32
      %dma_wait3A_77 = tpu.memref_slice %arg2[%dma_wait3A_75, %dma_wait3A_76] : memref<10000x128xf32, #tpu.memory_space<hbm>> -> memref<10000x128xf32, #tpu.memory_space<hbm>>
      tpu.wait_indirect_dma semaphore(%arg10 : memref<!tpu.dma_semaphore, #tpu.memory_space<semaphore_mem>>) src(%dma_wait3A_77 : memref<10000x128xf32, #tpu.memory_space<hbm>>) dst(%arg8 : memref<80x128xf32, #tpu.memory_space<vmem>>)
      %add3A_78 = arith.constant 1 : i32
      %add3A_79 = arith.addi %mul3A_47, %add3A_78 : i32
      "tpu.region"() ({
        %run_scoped3A_81 = tpu.sem_alloc : memref<!tpu.dma_semaphore, #tpu.memory_space<semaphore_mem>>
        %dma_start3A_82 = arith.constant 0 : i32
        %dma_start3A_83 = tpu.memref_slice %arg6[%add3A_79, %dma_start3A_82] : memref<125x80xi32, #tpu.memory_space<vmem>> -> memref<1x80xi32, #tpu.memory_space<vmem>>
        %dma_start3A_84 = tpu.memref_squeeze %dma_start3A_83 : memref<1x80xi32, #tpu.memory_space<vmem>> -> memref<80xi32, #tpu.memory_space<vmem>>
        %dma_start3A_85 = arith.constant 0 : i32
        %dma_start3A_86 = arith.constant 0 : i32
        %dma_start3A_87 = tpu.memref_slice %arg11[%dma_start3A_85, %dma_start3A_86] : memref<2560x128xf32, #tpu.memory_space<vmem_shared>> -> memref<2560x128xf32, #tpu.memory_space<vmem_shared>>
        tpu.enqueue_indirect_dma source(%arg8 : memref<80x128xf32, #tpu.memory_space<vmem>>) target(%dma_start3A_87 : memref<2560x128xf32, #tpu.memory_space<vmem_shared>>) offsets(%dma_start3A_84 : memref<80xi32, #tpu.memory_space<vmem>>) semaphore(%run_scoped3A_81 : memref<!tpu.dma_semaphore, #tpu.memory_space<semaphore_mem>>) {add = true}
        %dma_wait3A_88 = arith.constant 0 : i32
        %dma_wait3A_89 = tpu.memref_slice %arg6[%add3A_79, %dma_wait3A_88] : memref<125x80xi32, #tpu.memory_space<vmem>> -> memref<1x80xi32, #tpu.memory_space<vmem>>
        %dma_wait3A_90 = tpu.memref_squeeze %dma_wait3A_89 : memref<1x80xi32, #tpu.memory_space<vmem>> -> memref<80xi32, #tpu.memory_space<vmem>>
        %dma_wait3A_91 = arith.constant 0 : i32
        %dma_wait3A_92 = arith.constant 0 : i32
        %dma_wait3A_93 = tpu.memref_slice %arg11[%dma_wait3A_91, %dma_wait3A_92] : memref<2560x128xf32, #tpu.memory_space<vmem_shared>> -> memref<2560x128xf32, #tpu.memory_space<vmem_shared>>
        tpu.wait_indirect_dma semaphore(%run_scoped3A_81 : memref<!tpu.dma_semaphore, #tpu.memory_space<semaphore_mem>>) src(%arg8 : memref<80x128xf32, #tpu.memory_space<vmem>>) dst(%dma_wait3A_93 : memref<2560x128xf32, #tpu.memory_space<vmem_shared>>)
        tpu.yield
      }) : () -> ()
      %scan3A_80 = arith.constant 0 : i32
      scf.yield %scan3A_80 : i32
    }
    %scan3A_34 = arith.constant 62 : i32
    %dma_wait3A = arith.constant 124 : i32
    %dma_wait3A_35 = arith.constant 0 : i32
    %dma_wait3A_36 = tpu.memref_slice %arg5[%dma_wait3A, %dma_wait3A_35] : memref<125x80xi32, #tpu.memory_space<vmem>> -> memref<1x80xi32, #tpu.memory_space<vmem>>
    %dma_wait3A_37 = tpu.memref_squeeze %dma_wait3A_36 : memref<1x80xi32, #tpu.memory_space<vmem>> -> memref<80xi32, #tpu.memory_space<vmem>>
    %dma_wait3A_38 = arith.constant 0 : i32
    %dma_wait3A_39 = arith.constant 0 : i32
    %dma_wait3A_40 = tpu.memref_slice %arg2[%dma_wait3A_38, %dma_wait3A_39] : memref<10000x128xf32, #tpu.memory_space<hbm>> -> memref<10000x128xf32, #tpu.memory_space<hbm>>
    tpu.wait_indirect_dma semaphore(%arg9 : memref<!tpu.dma_semaphore, #tpu.memory_space<semaphore_mem>>) src(%dma_wait3A_40 : memref<10000x128xf32, #tpu.memory_space<hbm>>) dst(%arg7 : memref<80x128xf32, #tpu.memory_space<vmem>>)
    %run_scoped3A = arith.constant 124 : i32
    "tpu.region"() ({
      %run_scoped3A_44 = tpu.sem_alloc : memref<!tpu.dma_semaphore, #tpu.memory_space<semaphore_mem>>
      %dma_start3A_45 = arith.constant 0 : i32
      %dma_start3A_46 = tpu.memref_slice %arg6[%run_scoped3A, %dma_start3A_45] : memref<125x80xi32, #tpu.memory_space<vmem>> -> memref<1x80xi32, #tpu.memory_space<vmem>>
      %dma_start3A_47 = tpu.memref_squeeze %dma_start3A_46 : memref<1x80xi32, #tpu.memory_space<vmem>> -> memref<80xi32, #tpu.memory_space<vmem>>
      %dma_start3A_48 = arith.constant 0 : i32
      %dma_start3A_49 = arith.constant 0 : i32
      %dma_start3A_50 = tpu.memref_slice %arg11[%dma_start3A_48, %dma_start3A_49] : memref<2560x128xf32, #tpu.memory_space<vmem_shared>> -> memref<2560x128xf32, #tpu.memory_space<vmem_shared>>
      tpu.enqueue_indirect_dma source(%arg7 : memref<80x128xf32, #tpu.memory_space<vmem>>) target(%dma_start3A_50 : memref<2560x128xf32, #tpu.memory_space<vmem_shared>>) offsets(%dma_start3A_47 : memref<80xi32, #tpu.memory_space<vmem>>) semaphore(%run_scoped3A_44 : memref<!tpu.dma_semaphore, #tpu.memory_space<semaphore_mem>>) {add = true}
      %dma_wait3A_51 = arith.constant 0 : i32
      %dma_wait3A_52 = tpu.memref_slice %arg6[%run_scoped3A, %dma_wait3A_51] : memref<125x80xi32, #tpu.memory_space<vmem>> -> memref<1x80xi32, #tpu.memory_space<vmem>>
      %dma_wait3A_53 = tpu.memref_squeeze %dma_wait3A_52 : memref<1x80xi32, #tpu.memory_space<vmem>> -> memref<80xi32, #tpu.memory_space<vmem>>
      %dma_wait3A_54 = arith.constant 0 : i32
      %dma_wait3A_55 = arith.constant 0 : i32
      %dma_wait3A_56 = tpu.memref_slice %arg11[%dma_wait3A_54, %dma_wait3A_55] : memref<2560x128xf32, #tpu.memory_space<vmem_shared>> -> memref<2560x128xf32, #tpu.memory_space<vmem_shared>>
      tpu.wait_indirect_dma semaphore(%run_scoped3A_44 : memref<!tpu.dma_semaphore, #tpu.memory_space<semaphore_mem>>) src(%arg7 : memref<80x128xf32, #tpu.memory_space<vmem>>) dst(%dma_wait3A_56 : memref<2560x128xf32, #tpu.memory_space<vmem_shared>>)
      tpu.yield
    }) : () -> ()
    %barrier3A_41 = arith.constant 0 : index
    tpu.barrier barrier_id(%barrier3A_41)
    %mul3A_42 = arith.constant 160 : i32
    %mul3A_43 = arith.muli %arg1, %mul3A_42 : i32
    "tpu.region"() ({
      %run_scoped3A_44 = tpu.sem_alloc : memref<!tpu.dma_semaphore, #tpu.memory_space<semaphore_mem>>
      %dma_start3A_45 = arith.constant 0 : i32
      %dma_start3A_46 = arith.constant 0 : i32
      %dma_start3A_47 = tpu.memref_slice %arg4[%arg0, %dma_start3A_45, %dma_start3A_46] : memref<2x2560x128xf32, #tpu.memory_space<hbm>> -> memref<1x2560x128xf32, #tpu.memory_space<hbm>>
      %dma_start3A_48 = tpu.memref_squeeze %dma_start3A_47 : memref<1x2560x128xf32, #tpu.memory_space<hbm>> -> memref<2560x128xf32, #tpu.memory_space<hbm>>
      %dma_start3A_49 = arith.constant 0 : i32
      %dma_start3A_50 = tpu.memref_slice %dma_start3A_48[%mul3A_43, %dma_start3A_49] : memref<2560x128xf32, #tpu.memory_space<hbm>> -> memref<160x128xf32, #tpu.memory_space<hbm>>
      %dma_start3A_51 = arith.constant 0 : i32
      %dma_start3A_52 = tpu.memref_slice %arg11[%mul3A_43, %dma_start3A_51] : memref<2560x128xf32, #tpu.memory_space<vmem_shared>> -> memref<160x128xf32, #tpu.memory_space<vmem_shared>>
      tpu.enqueue_dma source(%dma_start3A_52 : memref<160x128xf32, #tpu.memory_space<vmem_shared>>) target(%dma_start3A_50 : memref<160x128xf32, #tpu.memory_space<hbm>>) target_semaphore(%run_scoped3A_44 : memref<!tpu.dma_semaphore, #tpu.memory_space<semaphore_mem>>)
      %dma_wait3A_53 = arith.constant 0 : i32
      %dma_wait3A_54 = arith.constant 0 : i32
      %dma_wait3A_55 = tpu.memref_slice %arg4[%arg0, %dma_wait3A_53, %dma_wait3A_54] : memref<2x2560x128xf32, #tpu.memory_space<hbm>> -> memref<1x2560x128xf32, #tpu.memory_space<hbm>>
      %dma_wait3A_56 = tpu.memref_squeeze %dma_wait3A_55 : memref<1x2560x128xf32, #tpu.memory_space<hbm>> -> memref<2560x128xf32, #tpu.memory_space<hbm>>
      %dma_wait3A_57 = arith.constant 0 : i32
      %dma_wait3A_58 = tpu.memref_slice %dma_wait3A_56[%mul3A_43, %dma_wait3A_57] : memref<2560x128xf32, #tpu.memory_space<hbm>> -> memref<160x128xf32, #tpu.memory_space<hbm>>
      %dma_wait3A_59 = arith.constant 0 : i32
      %dma_wait3A_60 = tpu.memref_slice %arg11[%mul3A_43, %dma_wait3A_59] : memref<2560x128xf32, #tpu.memory_space<vmem_shared>> -> memref<160x128xf32, #tpu.memory_space<vmem_shared>>
      tpu.wait_dma2 semaphore(%run_scoped3A_44 : memref<!tpu.dma_semaphore, #tpu.memory_space<semaphore_mem>>) src(%dma_wait3A_60 : memref<160x128xf32, #tpu.memory_space<vmem_shared>>) dst(%dma_wait3A_58 : memref<160x128xf32, #tpu.memory_space<hbm>>)
      tpu.yield
    }) : () -> ()
    return
  }
}

module attributes {stable_mosaic.version = 14 : i64} {
  func.func @_mm_body(%arg0: i32, %arg1: memref<1000x128xf32, #tpu.memory_space<vmem>>, %arg2: memref<128x128xf32, #tpu.memory_space<vmem>>, %arg3: memref<1x128xf32, #tpu.memory_space<vmem>>, %arg4: memref<1000x128xf32, #tpu.memory_space<vmem>>) attributes {dimension_semantics = [#tpu.dimension_semantics<arbitrary>], iteration_bounds = array<i64: 10>, scalar_prefetch = 0 : i64, scratch_operands = 0 : i64, tpu.core_type = #tpu.core_type<tc>, window_params = [{transform_indices = @transform_0, window_bounds = array<i64: 1000, 128>}, {pipeline_mode = #tpu.pipeline_mode<synchronous>, transform_indices = @transform_1, window_bounds = array<i64: 128, 128>}, {pipeline_mode = #tpu.pipeline_mode<synchronous>, transform_indices = @transform_2, window_bounds = array<i64: 1, 128>}, {transform_indices = @transform_3, window_bounds = array<i64: 1000, 128>}]} {
    %get3A = arith.constant 0 : index
    %get3A_0 = arith.constant 0 : index
    %get3A_1 = vector.load %arg1[%get3A, %get3A_0] : memref<1000x128xf32, #tpu.memory_space<vmem>>, vector<1000x128xf32>
    %get3A_2 = arith.constant 0 : index
    %get3A_3 = arith.constant 0 : index
    %get3A_4 = vector.load %arg2[%get3A_2, %get3A_3] : memref<128x128xf32, #tpu.memory_space<vmem>>, vector<128x128xf32>
    %dot_general3A = arith.constant dense<0.000000e+00> : vector<1000x128xf32>
    %dot_general3A_5 = tpu.matmul %get3A_1, %get3A_4, %dot_general3A {dimension_numbers = #tpu.dot_dimension_numbers<[1], [0], [0], [1], [0, 0, 1, 1], [], []>, transpose_lhs_hint = false} : vector<1000x128xf32>, vector<128x128xf32>, vector<1000x128xf32> -> vector<1000x128xf32>
    %get3A_6 = arith.constant 0 : index
    %get3A_7 = arith.constant 0 : index
    %get3A_8 = vector.load %arg3[%get3A_6, %get3A_7] : memref<1x128xf32, #tpu.memory_space<vmem>>, vector<1x128xf32>
    %add3A = vector.broadcast %get3A_8 : vector<1x128xf32> to vector<1000x128xf32>
    %add3A_9 = arith.addf %dot_general3A_5, %add3A : vector<1000x128xf32>
    %swap3A = arith.constant 0 : index
    %swap3A_10 = arith.constant 0 : index
    %swap3A_11 = vector.load %arg4[%swap3A, %swap3A_10] : memref<1000x128xf32, #tpu.memory_space<vmem>>, vector<1000x128xf32>
    tpu.vector_store %arg4[%swap3A, %swap3A_10], %add3A_9 {strides = array<i32>} : memref<1000x128xf32, #tpu.memory_space<vmem>>, vector<1000x128xf32>,
    return
  }
  func.func @transform_0(%arg0: i32) -> (i32, i32) {
    %c0_i32 = arith.constant 0 : i32
    %c0_i32_0 = arith.constant 0 : i32
    return %arg0, %c0_i32 : i32, i32
  }
  func.func @transform_1(%arg0: i32) -> (i32, i32) {
    %c0_i32 = arith.constant 0 : i32
    %c0_i32_0 = arith.constant 0 : i32
    %c0_i32_1 = arith.constant 0 : i32
    return %c0_i32, %c0_i32_0 : i32, i32
  }
  func.func @transform_2(%arg0: i32) -> (i32, i32) {
    %c0_i32 = arith.constant 0 : i32
    %c0_i32_0 = arith.constant 0 : i32
    %c0_i32_1 = arith.constant 0 : i32
    return %c0_i32, %c0_i32_0 : i32, i32
  }
  func.func @transform_3(%arg0: i32) -> (i32, i32) {
    %c0_i32 = arith.constant 0 : i32
    %c0_i32_0 = arith.constant 0 : i32
    return %arg0, %c0_i32 : i32, i32
  }
}

module attributes {stable_mosaic.version = 14 : i64} {
  func.func @_cnt_body(%arg0: i32, %arg1: memref<1x1x6400xi32, #tpu.memory_space<vmem>>, %arg2: memref<1x1x6400xi32, #tpu.memory_space<vmem>>, %arg3: memref<80x128xf32, #tpu.memory_space<vmem>>, %arg4: memref<20x128xf32, #tpu.memory_space<vmem>>) attributes {dimension_semantics = [#tpu.dimension_semantics<arbitrary>], iteration_bounds = array<i64: 50>, scalar_prefetch = 0 : i64, scratch_operands = 0 : i64, tpu.core_type = #tpu.core_type<tc>, window_params = [{transform_indices = @transform_0, window_bounds = array<i64: 1, 1, 6400>}, {transform_indices = @transform_1, window_bounds = array<i64: 1, 1, 6400>}, {pipeline_mode = #tpu.pipeline_mode<synchronous>, transform_indices = @transform_2, window_bounds = array<i64: 80, 128>}, {pipeline_mode = #tpu.pipeline_mode<synchronous>, transform_indices = @transform_3, window_bounds = array<i64: 20, 128>}]} {
    %eq3A = arith.constant 0 : i32
    %eq3A_0 = arith.cmpi eq, %arg0, %eq3A : i32
    %convert_element_type3A = arith.extui %eq3A_0 : i1 to i32
    %cond3A = arith.constant 0 : i32
    %cond3A_1 = arith.cmpi ne, %convert_element_type3A, %cond3A : i32
    scf.if %cond3A_1 {
      %broadcast_in_dim3A_61 = arith.constant 0.000000e+00 : f32
      %broadcast_in_dim3A_62 = vector.broadcast %broadcast_in_dim3A_61 : f32 to vector<80x128xf32>
      %swap3A_63 = arith.constant 0 : index
      %swap3A_64 = arith.constant 0 : index
      %swap3A_65 = vector.load %arg3[%swap3A_63, %swap3A_64] : memref<80x128xf32, #tpu.memory_space<vmem>>, vector<80x128xf32>
      tpu.vector_store %arg3[%swap3A_63, %swap3A_64], %broadcast_in_dim3A_62 {strides = array<i32>} : memref<80x128xf32, #tpu.memory_space<vmem>>, vector<80x128xf32>,
      %broadcast_in_dim3A_66 = arith.constant 0.000000e+00 : f32
      %broadcast_in_dim3A_67 = vector.broadcast %broadcast_in_dim3A_66 : f32 to vector<20x128xf32>
      %swap3A_68 = arith.constant 0 : index
      %swap3A_69 = arith.constant 0 : index
      %swap3A_70 = vector.load %arg4[%swap3A_68, %swap3A_69] : memref<20x128xf32, #tpu.memory_space<vmem>>, vector<20x128xf32>
      tpu.vector_store %arg4[%swap3A_68, %swap3A_69], %broadcast_in_dim3A_67 {strides = array<i32>} : memref<20x128xf32, #tpu.memory_space<vmem>>, vector<20x128xf32>,
    } else {
    }
    %iota3A = tpu.iota {dimensions = array<i32: 1>} : vector<6400x128xi32>
    %get3A = arith.constant 0 : index
    %get3A_2 = arith.constant 0 : index
    %get3A_3 = arith.constant 0 : index
    %get3A_4 = vector.load %arg1[%get3A, %get3A_2, %get3A_3] : memref<1x1x6400xi32, #tpu.memory_space<vmem>>, vector<1x1x6400xi32>
    %get3A_5 = vector.shape_cast %get3A_4 : vector<1x1x6400xi32> to vector<6400xi32>
    %broadcast_in_dim3A = vector.shape_cast %get3A_5 : vector<6400xi32> to vector<6400x1xi32>
    %shift_right_arithmetic3A = arith.constant 7 : i32
    %shift_right_arithmetic3A_6 = vector.broadcast %shift_right_arithmetic3A : i32 to vector<6400x1xi32>
    %shift_right_arithmetic3A_7 = arith.shrsi %broadcast_in_dim3A, %shift_right_arithmetic3A_6 : vector<6400x1xi32>
    %iota3A_8 = tpu.iota {dimensions = array<i32: 1>} : vector<6400x80xi32>
    %eq3A_9 = vector.broadcast %shift_right_arithmetic3A_7 : vector<6400x1xi32> to vector<6400x80xi32>
    %eq3A_10 = arith.cmpi eq, %eq3A_9, %iota3A_8 : vector<6400x80xi32>
    %broadcast_in_dim3A_11 = vector.shape_cast %get3A_5 : vector<6400xi32> to vector<6400x1xi32>
    %and3A = arith.constant 127 : i32
    %and3A_12 = vector.broadcast %and3A : i32 to vector<6400x1xi32>
    %and3A_13 = arith.andi %broadcast_in_dim3A_11, %and3A_12 : vector<6400x1xi32>
    %eq3A_14 = vector.broadcast %and3A_13 : vector<6400x1xi32> to vector<6400x128xi32>
    %eq3A_15 = arith.cmpi eq, %eq3A_14, %iota3A : vector<6400x128xi32>
    %get3A_16 = arith.constant 0 : index
    %get3A_17 = arith.constant 0 : index
    %get3A_18 = vector.load %arg3[%get3A_16, %get3A_17] : memref<80x128xf32, #tpu.memory_space<vmem>>, vector<80x128xf32>
    %convert_element_type3A_19 = arith.extui %eq3A_10 : vector<6400x80xi1> to vector<6400x80xi32>
    %convert_element_type3A_20 = arith.sitofp %convert_element_type3A_19 : vector<6400x80xi32> to vector<6400x80xf32>
    %convert_element_type3A_21 = arith.truncf %convert_element_type3A_20 : vector<6400x80xf32> to vector<6400x80xbf16>
    %convert_element_type3A_22 = arith.extui %eq3A_15 : vector<6400x128xi1> to vector<6400x128xi32>
    %convert_element_type3A_23 = arith.sitofp %convert_element_type3A_22 : vector<6400x128xi32> to vector<6400x128xf32>
    %convert_element_type3A_24 = arith.truncf %convert_element_type3A_23 : vector<6400x128xf32> to vector<6400x128xbf16>
    %dot_general3A = arith.constant dense<0.000000e+00> : vector<80x128xf32>
    %dot_general3A_25 = tpu.matmul %convert_element_type3A_21, %convert_element_type3A_24, %dot_general3A {dimension_numbers = #tpu.dot_dimension_numbers<[0], [0], [1], [1], [0, 1, 1, 1], [], []>, transpose_lhs_hint = false} : vector<6400x80xbf16>, vector<6400x128xbf16>, vector<80x128xf32> -> vector<80x128xf32>
    %add3A = arith.addf %get3A_18, %dot_general3A_25 : vector<80x128xf32>
    %swap3A = arith.constant 0 : index
    %swap3A_26 = arith.constant 0 : index
    %swap3A_27 = vector.load %arg3[%swap3A, %swap3A_26] : memref<80x128xf32, #tpu.memory_space<vmem>>, vector<80x128xf32>
    tpu.vector_store %arg3[%swap3A, %swap3A_26], %add3A {strides = array<i32>} : memref<80x128xf32, #tpu.memory_space<vmem>>, vector<80x128xf32>,
    %get3A_28 = arith.constant 0 : index
    %get3A_29 = arith.constant 0 : index
    %get3A_30 = arith.constant 0 : index
    %get3A_31 = vector.load %arg2[%get3A_28, %get3A_29, %get3A_30] : memref<1x1x6400xi32, #tpu.memory_space<vmem>>, vector<1x1x6400xi32>
    %get3A_32 = vector.shape_cast %get3A_31 : vector<1x1x6400xi32> to vector<6400xi32>
    %broadcast_in_dim3A_33 = vector.shape_cast %get3A_32 : vector<6400xi32> to vector<6400x1xi32>
    %shift_right_arithmetic3A_34 = arith.constant 7 : i32
    %shift_right_arithmetic3A_35 = vector.broadcast %shift_right_arithmetic3A_34 : i32 to vector<6400x1xi32>
    %shift_right_arithmetic3A_36 = arith.shrsi %broadcast_in_dim3A_33, %shift_right_arithmetic3A_35 : vector<6400x1xi32>
    %iota3A_37 = tpu.iota {dimensions = array<i32: 1>} : vector<6400x20xi32>
    %eq3A_38 = vector.broadcast %shift_right_arithmetic3A_36 : vector<6400x1xi32> to vector<6400x20xi32>
    %eq3A_39 = arith.cmpi eq, %eq3A_38, %iota3A_37 : vector<6400x20xi32>
    %broadcast_in_dim3A_40 = vector.shape_cast %get3A_32 : vector<6400xi32> to vector<6400x1xi32>
    %and3A_41 = arith.constant 127 : i32
    %and3A_42 = vector.broadcast %and3A_41 : i32 to vector<6400x1xi32>
    %and3A_43 = arith.andi %broadcast_in_dim3A_40, %and3A_42 : vector<6400x1xi32>
    %eq3A_44 = vector.broadcast %and3A_43 : vector<6400x1xi32> to vector<6400x128xi32>
    %eq3A_45 = arith.cmpi eq, %eq3A_44, %iota3A : vector<6400x128xi32>
    %get3A_46 = arith.constant 0 : index
    %get3A_47 = arith.constant 0 : index
    %get3A_48 = vector.load %arg4[%get3A_46, %get3A_47] : memref<20x128xf32, #tpu.memory_space<vmem>>, vector<20x128xf32>
    %convert_element_type3A_49 = arith.extui %eq3A_39 : vector<6400x20xi1> to vector<6400x20xi32>
    %convert_element_type3A_50 = arith.sitofp %convert_element_type3A_49 : vector<6400x20xi32> to vector<6400x20xf32>
    %convert_element_type3A_51 = arith.truncf %convert_element_type3A_50 : vector<6400x20xf32> to vector<6400x20xbf16>
    %convert_element_type3A_52 = arith.extui %eq3A_45 : vector<6400x128xi1> to vector<6400x128xi32>
    %convert_element_type3A_53 = arith.sitofp %convert_element_type3A_52 : vector<6400x128xi32> to vector<6400x128xf32>
    %convert_element_type3A_54 = arith.truncf %convert_element_type3A_53 : vector<6400x128xf32> to vector<6400x128xbf16>
    %dot_general3A_55 = arith.constant dense<0.000000e+00> : vector<20x128xf32>
    %dot_general3A_56 = tpu.matmul %convert_element_type3A_51, %convert_element_type3A_54, %dot_general3A_55 {dimension_numbers = #tpu.dot_dimension_numbers<[0], [0], [1], [1], [0, 1, 1, 1], [], []>, transpose_lhs_hint = false} : vector<6400x20xbf16>, vector<6400x128xbf16>, vector<20x128xf32> -> vector<20x128xf32>
    %add3A_57 = arith.addf %get3A_48, %dot_general3A_56 : vector<20x128xf32>
    %swap3A_58 = arith.constant 0 : index
    %swap3A_59 = arith.constant 0 : index
    %swap3A_60 = vector.load %arg4[%swap3A_58, %swap3A_59] : memref<20x128xf32, #tpu.memory_space<vmem>>, vector<20x128xf32>
    tpu.vector_store %arg4[%swap3A_58, %swap3A_59], %add3A_57 {strides = array<i32>} : memref<20x128xf32, #tpu.memory_space<vmem>>, vector<20x128xf32>,
    return
  }
  func.func @transform_0(%arg0: i32) -> (i32, i32, i32) {
    %c0_i32 = arith.constant 0 : i32
    %c0_i32_0 = arith.constant 0 : i32
    %c0_i32_1 = arith.constant 0 : i32
    return %arg0, %c0_i32, %c0_i32_0 : i32, i32, i32
  }
  func.func @transform_1(%arg0: i32) -> (i32, i32, i32) {
    %c0_i32 = arith.constant 0 : i32
    %c0_i32_0 = arith.constant 0 : i32
    %c0_i32_1 = arith.constant 0 : i32
    return %arg0, %c0_i32, %c0_i32_0 : i32, i32, i32
  }
  func.func @transform_2(%arg0: i32) -> (i32, i32) {
    %c0_i32 = arith.constant 0 : i32
    %c0_i32_0 = arith.constant 0 : i32
    %c0_i32_1 = arith.constant 0 : i32
    return %c0_i32, %c0_i32_0 : i32, i32
  }
  func.func @transform_3(%arg0: i32) -> (i32, i32) {
    %c0_i32 = arith.constant 0 : i32
    %c0_i32_0 = arith.constant 0 : i32
    %c0_i32_1 = arith.constant 0 : i32
    return %c0_i32, %c0_i32_0 : i32, i32
  }
}

module attributes {stable_mosaic.version = 14 : i64} {
  func.func @_emean_body(%arg0: memref<2x2560x128xf32, #tpu.memory_space<vmem>>, %arg1: memref<2560x1xf32, #tpu.memory_space<vmem>>, %arg2: memref<2560x128xf32, #tpu.memory_space<vmem>>) attributes {dimension_semantics = [], scalar_prefetch = 0 : i64, scratch_operands = 0 : i64, tpu.core_type = #tpu.core_type<tc>} {
    %get3A = arith.constant 0 : index
    %get3A_0 = arith.constant 0 : index
    %get3A_1 = vector.load %arg1[%get3A, %get3A_0] : memref<2560x1xf32, #tpu.memory_space<vmem>>, vector<2560x1xf32>
    %max3A = arith.constant 1.000000e+00 : f32
    %max3A_2 = vector.broadcast %max3A : f32 to vector<2560x1xf32>
    %max3A_3 = arith.maximumf %get3A_1, %max3A_2 : vector<2560x1xf32>
    %get3A_4 = arith.constant 0 : index
    %get3A_5 = arith.constant 0 : index
    %get3A_6 = arith.constant 0 : index
    %get3A_7 = vector.load %arg0[%get3A_4, %get3A_5, %get3A_6] : memref<2x2560x128xf32, #tpu.memory_space<vmem>>, vector<1x2560x128xf32>
    %get3A_8 = vector.shape_cast %get3A_7 : vector<1x2560x128xf32> to vector<2560x128xf32>
    %get3A_9 = arith.constant 1 : index
    %get3A_10 = arith.constant 0 : index
    %get3A_11 = arith.constant 0 : index
    %get3A_12 = vector.load %arg0[%get3A_9, %get3A_10, %get3A_11] : memref<2x2560x128xf32, #tpu.memory_space<vmem>>, vector<1x2560x128xf32>
    %get3A_13 = vector.shape_cast %get3A_12 : vector<1x2560x128xf32> to vector<2560x128xf32>
    %add3A = arith.addf %get3A_8, %get3A_13 : vector<2560x128xf32>
    %div3A = vector.broadcast %max3A_3 : vector<2560x1xf32> to vector<2560x128xf32>
    %div3A_14 = arith.divf %add3A, %div3A : vector<2560x128xf32>
    %swap3A = arith.constant 0 : index
    %swap3A_15 = arith.constant 0 : index
    %swap3A_16 = vector.load %arg2[%swap3A, %swap3A_15] : memref<2560x128xf32, #tpu.memory_space<vmem>>, vector<2560x128xf32>
    tpu.vector_store %arg2[%swap3A, %swap3A_15], %div3A_14 {strides = array<i32>} : memref<2560x128xf32, #tpu.memory_space<vmem>>, vector<2560x128xf32>,
    return
  }
}

module attributes {stable_mosaic.version = 14 : i64} {
  func.func @_vmean_body(%arg0: i32, %arg1: memref<2x1000x128xf32, #tpu.memory_space<vmem>>, %arg2: memref<1000x1xf32, #tpu.memory_space<vmem>>, %arg3: memref<1000x128xf32, #tpu.memory_space<vmem>>) attributes {dimension_semantics = [#tpu.dimension_semantics<arbitrary>], iteration_bounds = array<i64: 10>, scalar_prefetch = 0 : i64, scratch_operands = 0 : i64, tpu.core_type = #tpu.core_type<tc>, window_params = [{transform_indices = @transform_0, window_bounds = array<i64: 2, 1000, 128>}, {transform_indices = @transform_1, window_bounds = array<i64: 1000, 1>}, {transform_indices = @transform_2, window_bounds = array<i64: 1000, 128>}]} {
    %get3A = arith.constant 0 : index
    %get3A_0 = arith.constant 0 : index
    %get3A_1 = vector.load %arg2[%get3A, %get3A_0] : memref<1000x1xf32, #tpu.memory_space<vmem>>, vector<1000x1xf32>
    %max3A = arith.constant 1.000000e+00 : f32
    %max3A_2 = vector.broadcast %max3A : f32 to vector<1000x1xf32>
    %max3A_3 = arith.maximumf %get3A_1, %max3A_2 : vector<1000x1xf32>
    %get3A_4 = arith.constant 0 : index
    %get3A_5 = arith.constant 0 : index
    %get3A_6 = arith.constant 0 : index
    %get3A_7 = vector.load %arg1[%get3A_4, %get3A_5, %get3A_6] : memref<2x1000x128xf32, #tpu.memory_space<vmem>>, vector<1x1000x128xf32>
    %get3A_8 = vector.shape_cast %get3A_7 : vector<1x1000x128xf32> to vector<1000x128xf32>
    %get3A_9 = arith.constant 1 : index
    %get3A_10 = arith.constant 0 : index
    %get3A_11 = arith.constant 0 : index
    %get3A_12 = vector.load %arg1[%get3A_9, %get3A_10, %get3A_11] : memref<2x1000x128xf32, #tpu.memory_space<vmem>>, vector<1x1000x128xf32>
    %get3A_13 = vector.shape_cast %get3A_12 : vector<1x1000x128xf32> to vector<1000x128xf32>
    %add3A = arith.addf %get3A_8, %get3A_13 : vector<1000x128xf32>
    %div3A = vector.broadcast %max3A_3 : vector<1000x1xf32> to vector<1000x128xf32>
    %div3A_14 = arith.divf %add3A, %div3A : vector<1000x128xf32>
    %max3A_15 = arith.constant 0.000000e+00 : f32
    %max3A_16 = vector.broadcast %max3A_15 : f32 to vector<1000x128xf32>
    %max3A_17 = arith.maximumf %div3A_14, %max3A_16 : vector<1000x128xf32>
    %swap3A = arith.constant 0 : index
    %swap3A_18 = arith.constant 0 : index
    %swap3A_19 = vector.load %arg3[%swap3A, %swap3A_18] : memref<1000x128xf32, #tpu.memory_space<vmem>>, vector<1000x128xf32>
    tpu.vector_store %arg3[%swap3A, %swap3A_18], %max3A_17 {strides = array<i32>} : memref<1000x128xf32, #tpu.memory_space<vmem>>, vector<1000x128xf32>,
    return
  }
  func.func @transform_0(%arg0: i32) -> (i32, i32, i32) {
    %c0_i32 = arith.constant 0 : i32
    %c0_i32_0 = arith.constant 0 : i32
    %c0_i32_1 = arith.constant 0 : i32
    return %c0_i32, %arg0, %c0_i32_0 : i32, i32, i32
  }
  func.func @transform_1(%arg0: i32) -> (i32, i32) {
    %c0_i32 = arith.constant 0 : i32
    %c0_i32_0 = arith.constant 0 : i32
    return %arg0, %c0_i32 : i32, i32
  }
  func.func @transform_2(%arg0: i32) -> (i32, i32) {
    %c0_i32 = arith.constant 0 : i32
    %c0_i32_0 = arith.constant 0 : i32
    return %arg0, %c0_i32 : i32, i32
  }
}

</mosaic_0001>

<sc_bundles>
// kernel: kernel.11.cloned.1.call-start
scs
__scs_entry_jumppad:
0x0: {  	(pc) =	sbr.rel $0x88, $3  }
0x1: {  	(tag) =	ssettag $0x0;
	lr =	simm.s32 $0x1  }
0x2: {  	[smem:$0x3F9C] =	sst lr;
	_ =	strace $0xD0000000  }
0x3: {  	_ = 	snop  }
0x4: {  	_ = 	snop  }
0x5: {  	_ = 	snop  }
0x6: {  	_ = 	snop  }
0x7: {  	_ = 	snop  }
__scs_overlays_trampoline_lowered:
0x8: {  	[smem:$0x3FAB] =	sst s0  }
0x9: {  	[smem:$0x3FAC] =	sst s1  }
0xa: {  	[smem:$0x3FAD] =	sst s2  }
0xb: {  	[smem:$0x3FAE] =	sst s3  }
0xc: {  	[smem:$0x3FAF] =	sst s4  }
0xd: {  	[smem:$0x3FB0] =	sst s5  }
0xe: {  	[smem:$0x3FB1] =	sst s6  }
0xf: {  	[smem:$0x3FB2] =	sst s7  }
0x10: {  	[smem:$0x3FB3] =	sst s8  }
0x11: {  	[smem:$0x3FB4] =	sst s9;
	s0 =	simm.s32 @!p0 $0x0  }
0x12: {  	s1 =	sld [smem:$0x3F9A];
	s0 =	simm.s32 @p0 $0x1  }
0x13: {  	[smem:$0x3FB5] =	sst s0;
	s0 =	simm.s32 @!p1 $0x0  }
0x14: {  	s2 =	sld [smem:$0x3F99];
	s0 =	simm.s32 @p1 $0x1  }
0x15: {  	[smem:$0x3FB6] =	sst s0;
	s0 =	simm.s32 @!p2 $0x0  }
0x16: {  	s3 =	sld [smem:$0x3FDB];
	s0 =	simm.s32 @p2 $0x1  }
0x17: {  	s4 =	simm.s32 $0x1BF5;
	[smem:$0x3FB8] =	sst s0  }
0x18: {  	s0 =	sld [smem:$0x3F9B];
	_ =	swait.ge [sflag:s4], $0x0  }
0x19: {  	s7 =	sld [smem:$0x3F9C]  }
0x1a: {  	s8 =	sadd.s32 $0xFFFFE003, lr  }
0x1b: {  	s9 =	sadd.s32 $0xFFFFFEF7, lr;
	s5 =	simm.s32 $0xFFFFFFFF;
	p2 =	slt.u32 s8, $0xFFFFF086  }
0x1c: {  	p1 =	slt.u32 s9, $0xF7A;
	s5 =	simm.s32 @!p2 $0x0  }
0x1d: {  	s5 =	simm.s32 @p1 $0x1;
	p0 =	seq.s32 s7, s2  }
0x1e: {  	s7 =	smul.u32 @!p0 $0xF7A, s2;
	p2 =	seq.s32 @!p0 s5, $0x0  }
0x1f: {  	s9 =	smul.u32 $0xF7A, s1;
	s8 =	simm.s32 @!p0 $0x1BF5;
	p2 =	por !p2, p0  }
0x20: {  	[sflag:s8] =	ssyncset.s32 @!p0 $0xFFFFF086;
	s6 =	sadd.s32 @!p0 s3, s7;
	s7 =	simm.s32 @!p0 $0x108  }
0x21: {  	s3 =	sadd.s32 s3, s9;
	s6 =	sadd.s32 @!p0 $0x88, s6;
	s7 =	simm.s32 @p2 $0x1082  }
0x22: {  	[simem:s7], [sflag:s8] =	dma.local @!p0 [hbm:s6], $0xF7A  }
0x23: {  	s9 =	sor.u32 $0xD0000000, s2;
	s6 =	simm.s32 $0x108;
	_ =	swait.ge @!p0 [sflag:s8], $0x0  }
0x24: {  	s3 =	sadd.s32 $0x88, s3;
	s6 =	simm.s32 @!p1 $0x1082;
	[sflag:s4] =	ssyncset.s32 $0xFFFFF086  }
0x25: {  	[simem:s6], [sflag:s4] =	dma.local [hbm:s3], $0xF7A  }
0x26: {  	[smem:$0x3F9C] =	sst s1;
	(tag) =	ssettag s2;
	_ =	strace s9  }
0x27: {  	s1 =	sld [smem:$0x3FAC]  }
0x28: {  	s2 =	sld [smem:$0x3FAD]  }
0x29: {  	s4 =	sld [smem:$0x3FAF]  }
0x2a: {  	p0 =	seq.s32 s5, $0x0;
	s5 =	sld [smem:$0x3FB0]  }
0x2b: {  	s6 =	sld [smem:$0x3FB1]  }
0x2c: {  	s7 =	sld [smem:$0x3FB2]  }
0x2d: {  	s3 =	simm.s32 $0x108;
	s8 =	sld [smem:$0x3FB3]  }
0x2e: {  	s3 =	simm.s32 @!p0 $0x1082;
	s9 =	sld [smem:$0x3FB4]  }
0x2f: {  	lr =	sadd.s32 s0, s3;
	s0 =	sld [smem:$0x3FAB]  }
0x30: {  	s3 =	sld [smem:$0x3FAE]  }
0x31: {  	[smem:$0x3FB7] =	sst s10  }
0x32: {  	s10 =	sld [smem:$0x3FB5];
	_ =	sdelay $0x3  }
0x33: {  	p0 =	seq.s32 s10, $0x1;
	s10 =	sld [smem:$0x3FB7];
	_ =	sdelay $0x3  }
0x34: {  	[smem:$0x3FB7] =	sst s10  }
0x35: {  	s10 =	sld [smem:$0x3FB6];
	_ =	sdelay $0x3  }
0x36: {  	p1 =	seq.s32 s10, $0x1;
	s10 =	sld [smem:$0x3FB7];
	_ =	sdelay $0x3  }
0x37: {  	[smem:$0x3FB7] =	sst s10  }
0x38: {  	s10 =	sld [smem:$0x3FB8]  }
0x39: {  	_ = 	snop;
	(pc) =	sbr.ind lr, $3  }
0x3a: {  	_ = 	snop  }
0x3b: {  	_ = 	snop  }
0x3c: {  	p2 =	seq.s32 s10, $0x1;
	s10 =	sld [smem:$0x3FB7]  }
0x3d: {  	_ =	shalt  }
0x3e: {  	_ =	shalt  }
0x3f: {  	_ =	shalt  }
0x40: {  	_ =	shalt  }
0x41: {  	_ =	shalt  }
0x42: {  	_ =	shalt  }
0x43: {  	_ =	shalt  }
0x44: {  	_ =	shalt  }
0x45: {  	_ =	shalt  }
0x46: {  	_ =	shalt  }
0x47: {  	_ =	shalt  }
0x48: {  	_ =	shalt  }
0x49: {  	_ =	shalt  }
0x4a: {  	_ =	shalt  }
0x4b: {  	_ =	shalt  }
0x4c: {  	_ =	shalt  }
0x4d: {  	_ =	shalt  }
0x4e: {  	_ =	shalt  }
0x4f: {  	_ =	shalt  }
0x50: {  	_ =	shalt  }
0x51: {  	_ =	shalt  }
0x52: {  	_ =	shalt  }
0x53: {  	_ =	shalt  }
0x54: {  	_ =	shalt  }
0x55: {  	_ =	shalt  }
0x56: {  	_ =	shalt  }
0x57: {  	_ =	shalt  }
0x58: {  	_ =	shalt  }
0x59: {  	_ =	shalt  }
0x5a: {  	_ =	shalt  }
0x5b: {  	_ =	shalt  }
0x5c: {  	_ =	shalt  }
0x5d: {  	_ =	shalt  }
0x5e: {  	_ =	shalt  }
0x5f: {  	_ =	shalt  }
0x60: {  	_ =	shalt  }
0x61: {  	_ =	shalt  }
0x62: {  	_ =	shalt  }
0x63: {  	_ =	shalt  }
0x64: {  	_ =	shalt  }
0x65: {  	_ =	shalt  }
0x66: {  	_ =	shalt  }
0x67: {  	_ =	shalt  }
0x68: {  	_ =	shalt  }
0x69: {  	_ =	shalt  }
0x6a: {  	_ =	shalt  }
0x6b: {  	_ =	shalt  }
0x6c: {  	_ =	shalt  }
0x6d: {  	_ =	shalt  }
0x6e: {  	_ =	shalt  }
0x6f: {  	_ =	shalt  }
0x70: {  	_ =	shalt  }
0x71: {  	_ =	shalt  }
0x72: {  	_ =	shalt  }
0x73: {  	_ =	shalt  }
0x74: {  	_ =	shalt  }
0x75: {  	_ =	shalt  }
0x76: {  	_ =	shalt  }
0x77: {  	_ =	shalt  }
0x78: {  	_ =	shalt  }
0x79: {  	_ =	shalt  }
0x7a: {  	_ =	shalt  }
0x7b: {  	_ =	shalt  }
0x7c: {  	_ =	shalt  }
0x7d: {  	_ =	shalt  }
0x7e: {  	_ =	shalt  }
0x7f: {  	_ =	shalt  }
0x80: {  	_ =	shalt  }
0x81: {  	_ =	shalt  }
0x82: {  	_ =	shalt  }
0x83: {  	_ =	shalt  }
0x84: {  	_ =	shalt  }
0x85: {  	_ =	shalt  }
0x86: {  	_ =	shalt  }
0x87: {  	_ =	shalt  }
.Lfunc_end0:
.L_simem_size_0:
called_computation.1_lowered:
.L_overlay_start_0:
0x88: {  	s2 =	sld [smem:$0x3FD9]  }
0x89: {  	s3 =	sld [smem:$0x3FFE];
	_ =	sdelay $0x1  }
0x8a: {  	s1 =	srdreg.scid  }
0x8b: {  	s0 =	sand.u32 $0x1, s1  }
0x8c: {  	s17 =	sshll.u32 s0, $0xA;
	s2 =	sadd.s32 s3, s2  }
0x8d: {  	s2 =	sadd.s32 s2, s17  }
0x8e: {  	[smem:$0x3FC3] =	sst s2  }
0x8f: {  	_ = 	snop  }
0x90: {  	s2 =	sld [smem:$0x3FD0];
	(tm) =	ssettm $0x1  }
0x91: {  	s18 =	sld [smem:$0x3FFB];
	_ =	sdelay $0x3  }
0x92: {  	_ =	strace s18  }
0x93: {  	s3 =	sld [smem:$0x3FFC];
	_ =	sdelay $0x3  }
0x94: {  	_ =	strace s3  }
0x95: {  	s3 =	sld [smem:$0x3FFD];
	_ =	sdelay $0x3  }
0x96: {  	_ =	strace s3  }
0x97: {  	_ =	strace $0x8FFFFFFF  }
0x98: {  	s19 =	sld [smem:$0x3FDB];
	_ =	sdelay $0x1  }
0x99: {  	s4 =	simm.s32 $_scs_section_size  }
0x9a: {  	s5 =	simm.s32 $_size__tile_overlayer_lowered;
	s6 =	simm.s32 $_tile_overlayer_lowered  }
0x9b: {  	s22 =	simm.s32 $0x1BFF;
	s21 =	sshll.u32 s6, $0x1;
	s3 =	sadd.s32 s4, s19  }
0x9c: {  	s7 =	simm.s32 $0x0;
	s20 =	sshll.u32 s5, $0x1;
	s5 =	sadd.s32 s21, s3  }
0x9d: {  	[timem:s7], [sflag:s22] =	dma.local [hbm:s5], s20  }
0x9e: {  	_ =	swait.ge [sflag:s22], s20  }
0x9f: {  	s4 =	ssub.s32 $0x0, s20;
	[sflag:s22] =	ssyncset.done $0x0  }
0xa0: {  	[sflag:s22] =	ssyncadd.s32 s4;
	_ =	sdelay $0x1  }
0xa1: {  	s23 =	simm.s32 $0x1B8B  }
0xa2: {  	_ =	swait.ge [sflag:s23], $0x1  }
0xa3: {  	[sflag:s23] =	ssyncset.done $0x0  }
0xa4: {  	s25 =	simm.s32 $0x1B8E;
	s24 =	sld [smem:$0x3FFE];
	[sflag:s23] =	ssyncadd.s32 $0xFFFFFFFF  }
0xa5: {  	s26 =	simm.s32 $execute0_lowered;
	[smem:$0x3FD2] =	sst s25  }
0xa6: {  	s5 =	sshll.u32 s26, $0x1;
	_ =	strace $0x80000049;
	[dreg:$0x1] =	wrdreg $0xFFFFFFFF  }
0xa7: {  	s28 =	simm.s32 $_size_execute0_lowered;
	s3 =	sadd.s32 s3, s5;
	[dreg:$0x0] =	wrdreg $0x0  }
0xa8: {  	s5 =	sshll.u32 s28, $0x1;
	[dreg:$0x2] =	wrdreg s3  }
0xa9: {  	[dreg:$0x3] =	wrdreg s5  }
0xaa: {  	[dreg:$0x4] =	wrdreg $0xC0  }
0xab: {  	_ =	task [dreg:s7], $0x5FFFF  }
0xac: {  	[dreg:$0x1] =	wrdreg $0xFFFFFFFF  }
0xad: {  	[dreg:$0x0] =	wrdreg $0x60  }
0xae: {  	[dreg:$0x2] =	wrdreg s2  }
0xaf: {  	[dreg:$0x3] =	wrdreg s24  }
0xb0: {  	[dreg:$0x4] =	wrdreg $0x92000  }
0xb1: {  	[dreg:$0x5] =	wrdreg $0x9  }
0xb2: {  	_ =	task.clear_ibuf [dreg:s7], $0x6FFFF;
	_ =	strace $0x90000049  }
0xb3: {  	s29 =	simm.s32 $0x9;
	_ =	strace $0x8000004B  }
0xb4: {  	_ =	swait.ge [sflag:s29], $0x1  }
0xb5: {  	[sflag:s29] =	ssyncadd.s32 $0xFFFFFFFF  }
0xb6: {  	_ =	strace $0x9000004B  }
0xb7: {  	_ =	sfence  }
0xb8: {  	s30 =	sld [smem:$0x0];
	_ =	sdelay $0x2  }
0xb9: {  	s31 =	sshll.u32 s1, $0xD;
	s1 =	sshrl.u32 s1, $0x2  }
0xba: {  	s3 =	sand.u32 $0x4000, s31;
	s1 =	sadd.s32 s1, s30  }
0xbb: {  	s0 =	sor.u32 s3, s0;
	s1 =	sshll.u32 s1, $0x11  }
0xbc: {  	s0 =	sor.u32 s1, s0  }
0xbd: {  	s0 =	sadd.s32 $0x8F2B, s0  }
0xbe: {  	[sflag:s0] =	ssyncadd.remote.s32 $0x1  }
0xbf: {  	_ =	sfence.sel $0xFFFF  }
0xc0: {  	[dreg:$0x0] =	wrdreg $0xFFFFFFFF;
	(pc) =	sbr.abs _section_cstart, $3  }
0xc1: {  	[dreg:$0x1] =	wrdreg $0xFFFFFFFF  }
0xc2: {  	_ =	task.clear_ibuf [dreg:s7], $0x2FFFF;
	_ =	strace $0x9FFFFFFF  }
0xc3: {  	(tm) =	ssettm $0x7FFFFFFF  }
tec
execute0_lowered:
.L_overlay_start_1:
0x0: {  	(tag) =	ssettag $0x1  }
0x1: {  	s1 =	rddreg [dreg:$0x0]  }
0x2: {  	s5 =	rddreg [dreg:$0x1]  }
0x3: {  	s2 =	rddreg [dreg:$0x2]  }
0x4: {  	s3 =	srdreg.scid;
	s0 =	rddreg [dreg:$0x3];
	s4 =	simm.s32 $0x0  }
0x5: {  	s16 =	simm.s32 $0x4200;
	s17 =	simm.s32 $0x50;
	s18 =	simm.s32 $0x4100  }
0x6: {  	s19 =	simm.s32 $0x4180;
	s20 =	simm.s32 $0x6A00;
	s21 =	simm.s32 $0x1  }
0x7: {  	s22 =	simm.s32 $0x4000;
	s23 =	simm.s32 $0x2;
	s6 =	sand.u32 $0x1, s3  }
0x8: {  	s26 =	simm.s32 $0x0;
	s3 =	stileid.u32;
	s7 =	smul.u32 $0x28000, s6  }
0x9: {  	[smem:$0x7FF] =	sst s4;
	s8 =	sshll.u32 s3, $0xB;
	s9 =	smul.u32 $0x50000, s3  }
0xa: {  	_ =	strace $0x8000004A;
	s28 =	ssub.s32 $0x2, s6;
	s29 =	sshll.u32 s6, $0xF  }
0xb: {  	s25 =	smul.u32 $0x2800, s3;
	s8 =	sadd.s32 s8, s5;
	s31 =	sshrl.u32 s28, $0x1  }
0xc: {  	s14 =	sadd.s32 s7, s5;
	s30 =	sshrl.u32 s9, $0x2;
	s8 =	sadd.s32 s29, s8  }
0xd: {  	s15 =	ssub.s32 s28, s31;
	s5 =	sadd.s32 s30, s2;
	s6 =	sadd.s32 $0x1C00, s8  }
0xe: {  	s24 =	sadd.s32 $0x11C00, s14;
	s14 =	smax.u32 s15, $0x1;
	s15 =	simm.s32 $0x3  }
0xf: {  	s7 =	sadd.s32 $0x2800, s5;
	s8 =	sadd.s32 $0x5000, s5;
	s9 =	sadd.s32 $0x7800, s5  }
0x10: {  	s10 =	sadd.s32 $0xA000, s5;
	s11 =	sadd.s32 $0xC800, s5;
	s12 =	sadd.s32 $0xF000, s5  }
0x11: {  	v0 =	vimm.f32 $0.0e+00;
	s13 =	sadd.s32 $0x11800, s5;
	s24 =	sadd.s32 s25, s24;
	s25 =	simm.s32 $0x4080  }
.LBB2_1:
0x12: {  	[tilespmem:s4], [sflag:$0x3] =	stream.linear.gather [hbm4b:s6+s4], $0x3E80, $0x38;
	[tilespmem:$0x1D200] =	vst v63  }
0x13: {  	_ =	swait.ge [sflag:s15], $0x3E80  }
0x14: {  	[sflag:s15] =	ssyncset.done $0x0  }
0x15: {  	s28 =	simm.s32 $0x0;
	s29 =	simm.s32 $0x200;
	[sflag:s15] =	ssyncadd.s32 $0xFFFFC180  }
.LBB2_2:
0x16: {  	p0 =	sne.s32 s29, $0x9E00;
	[tilespmem:s28+$0x4270] =	vst v0  }
0x17: {  	[tilespmem:s28+$0x4200] =	vst v0  }
0x18: {  	[tilespmem:s28+$0x4210] =	vst v0  }
.Ltmp0:
0x19: {  	[tilespmem:s28+$0x4220] =	vst v0;
	(pc) =	sbr.rel @p0 .LBB2_2-.Ltmp0, $4  }
0x1a: {  	[tilespmem:s28+$0x4230] =	vst v0  }
0x1b: {  	[tilespmem:s28+$0x4240] =	vst v0  }
0x1c: {  	[tilespmem:s28+$0x4250] =	vst v0  }
0x1d: {  	[tilespmem:s28+$0x4260] =	vst v0;
	s28 =	sshra.s32 s29, $0x2;
	s29 =	sadd.s32 $0x200, s29  }
0x1e: {  	[tilespmem:s28+$0x4270] =	vst v0  }
0x1f: {  	[tilespmem:s28+$0x4200] =	vst v0  }
0x20: {  	[tilespmem:s28+$0x4210] =	vst v0  }
0x21: {  	[tilespmem:s28+$0x4220] =	vst v0  }
0x22: {  	[tilespmem:s28+$0x4230] =	vst v0  }
0x23: {  	[tilespmem:s28+$0x4240] =	vst v0  }
0x24: {  	[tilespmem:s28+$0x4250] =	vst v0  }
0x25: {  	[tilespmem:s28+$0x4260] =	vst v0  }
0x26: {  	[spmem:s5] =	stream.linear.scatter [tilespmem:s16], [sflag:$0x3], $0x2800, $0x38;
	[tilespmem:$0x1D200] =	vst v63  }
0x27: {  	_ =	swait.ge [sflag:s15], $0x2800  }
0x28: {  	[sflag:s15] =	ssyncset.done $0x0  }
0x29: {  	[sflag:s15] =	ssyncadd.s32 $0xFFFFD800  }
0x2a: {  	[spmem:s7] =	stream.linear.scatter [tilespmem:s16], [sflag:$0x3], $0x2800, $0x38;
	[tilespmem:$0x1D200] =	vst v63  }
0x2b: {  	_ =	swait.ge [sflag:s15], $0x2800  }
0x2c: {  	[sflag:s15] =	ssyncset.done $0x0  }
0x2d: {  	[sflag:s15] =	ssyncadd.s32 $0xFFFFD800  }
0x2e: {  	[spmem:s8] =	stream.linear.scatter [tilespmem:s16], [sflag:$0x3], $0x2800, $0x38;
	[tilespmem:$0x1D200] =	vst v63  }
0x2f: {  	_ =	swait.ge [sflag:s15], $0x2800  }
0x30: {  	[sflag:s15] =	ssyncset.done $0x0  }
0x31: {  	[sflag:s15] =	ssyncadd.s32 $0xFFFFD800  }
0x32: {  	[spmem:s9] =	stream.linear.scatter [tilespmem:s16], [sflag:$0x3], $0x2800, $0x38;
	[tilespmem:$0x1D200] =	vst v63  }
0x33: {  	_ =	swait.ge [sflag:s15], $0x2800  }
0x34: {  	[sflag:s15] =	ssyncset.done $0x0  }
0x35: {  	[sflag:s15] =	ssyncadd.s32 $0xFFFFD800  }
0x36: {  	[spmem:s10] =	stream.linear.scatter [tilespmem:s16], [sflag:$0x3], $0x2800, $0x38;
	[tilespmem:$0x1D200] =	vst v63  }
0x37: {  	_ =	swait.ge [sflag:s15], $0x2800  }
0x38: {  	[sflag:s15] =	ssyncset.done $0x0  }
0x39: {  	[sflag:s15] =	ssyncadd.s32 $0xFFFFD800  }
0x3a: {  	[spmem:s11] =	stream.linear.scatter [tilespmem:s16], [sflag:$0x3], $0x2800, $0x38;
	[tilespmem:$0x1D200] =	vst v63  }
0x3b: {  	_ =	swait.ge [sflag:s15], $0x2800  }
0x3c: {  	[sflag:s15] =	ssyncset.done $0x0  }
0x3d: {  	[sflag:s15] =	ssyncadd.s32 $0xFFFFD800  }
0x3e: {  	[spmem:s12] =	stream.linear.scatter [tilespmem:s16], [sflag:$0x3], $0x2800, $0x38;
	[tilespmem:$0x1D200] =	vst v63  }
0x3f: {  	_ =	swait.ge [sflag:s15], $0x2800  }
0x40: {  	[sflag:s15] =	ssyncset.done $0x0  }
0x41: {  	[sflag:s15] =	ssyncadd.s32 $0xFFFFD800  }
0x42: {  	[spmem:s13] =	stream.linear.scatter [tilespmem:s16], [sflag:$0x3], $0x2800, $0x38;
	[tilespmem:$0x1D200] =	vst v63  }
0x43: {  	_ =	swait.ge [sflag:s15], $0x2800  }
0x44: {  	[sflag:s15] =	ssyncset.done $0x0  }
0x45: {  	[sflag:s15] =	ssyncadd.s32 $0xFFFFD800  }
0x46: {  	[bflag:$0x0] =	sbarrier.arrive $0xFFFF  }
0x47: {  	v1 =	vld [tilespmem:$0x0];
	_ =	sdelay $0x1  }
0x48: {  	v2 =	vld [tilespmem:$0x10];
	_ =	sdelay $0x1  }
0x49: {  	v3 =	vld [tilespmem:$0x20]  }
0x4a: {  	v4 =	vshrl.u32 v1, $0xC  }
0x4b: {  	v63 =	vld [tilespmem:$0x30];
	v1 =	vand.u32 $0xFFF, v1;
	[tilespmem:$0x4000] =	vst v4  }
0x4c: {  	[tilespmem:$0x4100] =	vst v1;
	v1 =	vshrl.u32 v2, $0xC  }
0x4d: {  	[tilespmem:$0x4010] =	vst v1;
	v1 =	vand.u32 $0xFFF, v2;
	v2 =	vld [tilespmem:$0x40]  }
0x4e: {  	[tilespmem:$0x4110] =	vst v1;
	v1 =	vshrl.u32 v3, $0xC  }
0x4f: {  	[tilespmem:$0x4020] =	vst v1;
	v1 =	vand.u32 $0xFFF, v3  }
0x50: {  	[tilespmem:$0x4120] =	vst v1;
	v1 =	vshrl.u32 v63, $0xC  }
0x51: {  	[tilespmem:$0x4030] =	vst v1;
	v1 =	vand.u32 $0xFFF, v63  }
0x52: {  	[tilespmem:$0x4130] =	vst v1;
	v1 =	vshrl.u32 v2, $0xC  }
0x53: {  	[tilespmem:$0x4040] =	vst v1;
	v1 =	vand.u32 $0xFFF, v2  }
0x54: {  	s29 =	simm.s32 $0x0;
	[tilespmem:$0x4140] =	vst v1  }
0x55: {  	[tilespmem:s16], [sflag:$0x1] =	stream.indirect.gather [hbm4b:s1+s17], $0x80, s18, s17, $0xb8;
	[tilespmem:$0x1D200] =	vst v63  }
0x56: {  	v1 =	vld [tilespmem:s29+$0x80];
	_ =	sdelay $0x4  }
0x57: {  	v2 =	vshrl.u32 v1, $0xC  }
0x58: {  	v1 =	vand.u32 $0xFFF, v1;
	[tilespmem:$0x4080] =	vst v2  }
0x59: {  	[tilespmem:$0x4180] =	vst v1  }
0x5a: {  	v1 =	vld [tilespmem:s29+$0x90];
	_ =	sdelay $0x4  }
0x5b: {  	v2 =	vshrl.u32 v1, $0xC  }
0x5c: {  	v1 =	vand.u32 $0xFFF, v1;
	[tilespmem:$0x4090] =	vst v2  }
0x5d: {  	[tilespmem:$0x4190] =	vst v1  }
0x5e: {  	v1 =	vld [tilespmem:s29+$0xA0];
	_ =	sdelay $0x4  }
0x5f: {  	v2 =	vshrl.u32 v1, $0xC  }
0x60: {  	v1 =	vand.u32 $0xFFF, v1;
	[tilespmem:$0x40A0] =	vst v2  }
0x61: {  	[tilespmem:$0x41A0] =	vst v1  }
0x62: {  	v1 =	vld [tilespmem:s29+$0xB0];
	_ =	sdelay $0x4  }
0x63: {  	v2 =	vshrl.u32 v1, $0xC  }
0x64: {  	v1 =	vand.u32 $0xFFF, v1;
	[tilespmem:$0x40B0] =	vst v2  }
0x65: {  	[tilespmem:$0x41B0] =	vst v1  }
0x66: {  	v1 =	vld [tilespmem:s29+$0xC0];
	_ =	sdelay $0x4  }
0x67: {  	v2 =	vshrl.u32 v1, $0xC  }
0x68: {  	v1 =	vand.u32 $0xFFF, v1;
	[tilespmem:$0x40C0] =	vst v2  }
0x69: {  	[tilespmem:$0x41C0] =	vst v1  }
0x6a: {  	[tilespmem:s20], [sflag:$0x2] =	stream.indirect.gather [hbm4b:s1+s17], $0x80, s19, s17, $0xb8;
	[tilespmem:$0x1D200] =	vst v63  }
0x6b: {  	_ =	swait.ge [sflag:s21], $0x2800  }
0x6c: {  	[sflag:s21] =	ssyncset.done $0x0  }
0x6d: {  	[sflag:s21] =	ssyncadd.s32 $0xFFFFD800  }
0x6e: {  	[spmem:s2] =	stream.indirect.scatter.add.f32 [tilespmem:s16], [sflag:$0x3], $0x80, s22, s17, $0xb8;
	[tilespmem:$0x1D200] =	vst v63  }
0x6f: {  	_ =	swait.ge [sflag:s15], $0x2800  }
0x70: {  	[sflag:s15] =	ssyncset.done $0x0  }
0x71: {  	[sflag:s15] =	ssyncadd.s32 $0xFFFFD800  }
0x72: {  	v1 =	vld [tilespmem:s29+$0x100];
	_ =	sdelay $0x4  }
0x73: {  	v2 =	vshrl.u32 v1, $0xC  }
0x74: {  	v1 =	vand.u32 $0xFFF, v1;
	[tilespmem:$0x4000] =	vst v2  }
0x75: {  	[tilespmem:$0x4100] =	vst v1  }
0x76: {  	v1 =	vld [tilespmem:s29+$0x110];
	_ =	sdelay $0x4  }
0x77: {  	v2 =	vshrl.u32 v1, $0xC  }
0x78: {  	v1 =	vand.u32 $0xFFF, v1;
	[tilespmem:$0x4010] =	vst v2  }
0x79: {  	[tilespmem:$0x4110] =	vst v1  }
0x7a: {  	v1 =	vld [tilespmem:s29+$0x120];
	_ =	sdelay $0x4  }
0x7b: {  	v2 =	vshrl.u32 v1, $0xC  }
0x7c: {  	v1 =	vand.u32 $0xFFF, v1;
	[tilespmem:$0x4020] =	vst v2  }
0x7d: {  	[tilespmem:$0x4120] =	vst v1  }
0x7e: {  	v1 =	vld [tilespmem:s29+$0x130];
	_ =	sdelay $0x4  }
0x7f: {  	v2 =	vshrl.u32 v1, $0xC  }
0x80: {  	v1 =	vand.u32 $0xFFF, v1;
	[tilespmem:$0x4030] =	vst v2  }
0x81: {  	[tilespmem:$0x4130] =	vst v1  }
0x82: {  	s28 =	simm.s32 $0x400;
	v1 =	vld [tilespmem:s29+$0x140]  }
.LBB2_4:
0x83: {  	_ =	sdelay $0x3  }
0x84: {  	p0 =	sne.s32 s28, $0xF400;
	s29 =	smov.u32 s28;
	s28 =	sadd.s32 $0x400, s28;
	v2 =	vshrl.u32 v1, $0xC;
	v1 =	vand.u32 $0xFFF, v1  }
0x85: {  	[tilespmem:$0x4040] =	vst v2  }
0x86: {  	[tilespmem:$0x4140] =	vst v1  }
0x87: {  	[tilespmem:s16], [sflag:$0x1] =	stream.indirect.gather [hbm4b:s1+s17], $0x80, s18, s17, $0xb8;
	[tilespmem:$0x1D200] =	vst v63  }
0x88: {  	_ =	swait.ge [sflag:s23], $0x2800  }
0x89: {  	[sflag:s23] =	ssyncset.done $0x0  }
0x8a: {  	[sflag:s23] =	ssyncadd.s32 $0xFFFFD800  }
0x8b: {  	[spmem:s2] =	stream.indirect.scatter.add.f32 [tilespmem:s20], [sflag:$0x3], $0x80, s25, s17, $0xb8;
	[tilespmem:$0x1D200] =	vst v63  }
0x8c: {  	_ =	swait.ge [sflag:s15], $0x2800  }
0x8d: {  	[sflag:s15] =	ssyncset.done $0x0  }
0x8e: {  	s29 =	sshra.s32 s29, $0x2;
	[sflag:s15] =	ssyncadd.s32 $0xFFFFD800  }
0x8f: {  	v1 =	vld [tilespmem:s29+$0x80];
	_ =	sdelay $0x4  }
0x90: {  	v2 =	vshrl.u32 v1, $0xC;
	v1 =	vand.u32 $0xFFF, v1  }
0x91: {  	[tilespmem:$0x4080] =	vst v2  }
0x92: {  	[tilespmem:$0x4180] =	vst v1  }
0x93: {  	v1 =	vld [tilespmem:s29+$0x90];
	_ =	sdelay $0x4  }
0x94: {  	v2 =	vshrl.u32 v1, $0xC;
	v1 =	vand.u32 $0xFFF, v1  }
0x95: {  	[tilespmem:$0x4090] =	vst v2  }
0x96: {  	[tilespmem:$0x4190] =	vst v1  }
0x97: {  	v1 =	vld [tilespmem:s29+$0xA0];
	_ =	sdelay $0x4  }
0x98: {  	v2 =	vshrl.u32 v1, $0xC;
	v1 =	vand.u32 $0xFFF, v1  }
0x99: {  	[tilespmem:$0x40A0] =	vst v2  }
0x9a: {  	[tilespmem:$0x41A0] =	vst v1  }
0x9b: {  	v1 =	vld [tilespmem:s29+$0xB0];
	_ =	sdelay $0x4  }
0x9c: {  	v2 =	vshrl.u32 v1, $0xC;
	v1 =	vand.u32 $0xFFF, v1  }
0x9d: {  	[tilespmem:$0x40B0] =	vst v2  }
0x9e: {  	[tilespmem:$0x41B0] =	vst v1  }
0x9f: {  	v1 =	vld [tilespmem:s29+$0xC0];
	_ =	sdelay $0x4  }
0xa0: {  	v2 =	vshrl.u32 v1, $0xC;
	v1 =	vand.u32 $0xFFF, v1  }
0xa1: {  	[tilespmem:$0x40C0] =	vst v2  }
0xa2: {  	[tilespmem:$0x41C0] =	vst v1  }
0xa3: {  	[tilespmem:s20], [sflag:$0x2] =	stream.indirect.gather [hbm4b:s1+s17], $0x80, s19, s17, $0xb8;
	[tilespmem:$0x1D200] =	vst v63  }
0xa4: {  	_ =	swait.ge [sflag:s21], $0x2800  }
0xa5: {  	[sflag:s21] =	ssyncset.done $0x0  }
0xa6: {  	[sflag:s21] =	ssyncadd.s32 $0xFFFFD800  }
0xa7: {  	[spmem:s2] =	stream.indirect.scatter.add.f32 [tilespmem:s16], [sflag:$0x3], $0x80, s22, s17, $0xb8;
	[tilespmem:$0x1D200] =	vst v63  }
0xa8: {  	_ =	swait.ge [sflag:s15], $0x2800  }
0xa9: {  	[sflag:s15] =	ssyncset.done $0x0  }
0xaa: {  	[sflag:s15] =	ssyncadd.s32 $0xFFFFD800  }
0xab: {  	v1 =	vld [tilespmem:s29+$0x100];
	_ =	sdelay $0x4  }
0xac: {  	v2 =	vshrl.u32 v1, $0xC;
	v1 =	vand.u32 $0xFFF, v1  }
0xad: {  	[tilespmem:$0x4000] =	vst v2  }
0xae: {  	[tilespmem:$0x4100] =	vst v1  }
0xaf: {  	v1 =	vld [tilespmem:s29+$0x110];
	_ =	sdelay $0x4  }
0xb0: {  	v2 =	vshrl.u32 v1, $0xC;
	v1 =	vand.u32 $0xFFF, v1  }
0xb1: {  	[tilespmem:$0x4010] =	vst v2  }
0xb2: {  	[tilespmem:$0x4110] =	vst v1  }
0xb3: {  	v1 =	vld [tilespmem:s29+$0x120];
	_ =	sdelay $0x4  }
0xb4: {  	v2 =	vshrl.u32 v1, $0xC;
	v1 =	vand.u32 $0xFFF, v1  }
0xb5: {  	[tilespmem:$0x4020] =	vst v2  }
0xb6: {  	[tilespmem:$0x4120] =	vst v1  }
0xb7: {  	v1 =	vld [tilespmem:s29+$0x130];
	_ =	sdelay $0x3  }
.Ltmp1:
0xb8: {  	(pc) =	sbr.rel @p0 .LBB2_4-.Ltmp1, $4  }
0xb9: {  	v2 =	vshrl.u32 v1, $0xC;
	v1 =	vand.u32 $0xFFF, v1  }
0xba: {  	[tilespmem:$0x4030] =	vst v2  }
0xbb: {  	[tilespmem:$0x4130] =	vst v1  }
0xbc: {  	v1 =	vld [tilespmem:s29+$0x140]  }
0xbd: {  	_ =	sdelay $0x3  }
0xbe: {  	v2 =	vshrl.u32 v1, $0xC  }
0xbf: {  	v1 =	vand.u32 $0xFFF, v1;
	[tilespmem:$0x4040] =	vst v2  }
0xc0: {  	[tilespmem:$0x4140] =	vst v1  }
0xc1: {  	[tilespmem:s16], [sflag:$0x1] =	stream.indirect.gather [hbm4b:s1+s17], $0x80, s18, s17, $0xb8;
	[tilespmem:$0x1D200] =	vst v63  }
0xc2: {  	_ =	swait.ge [sflag:s23], $0x2800  }
0xc3: {  	[sflag:s23] =	ssyncset.done $0x0  }
0xc4: {  	[sflag:s23] =	ssyncadd.s32 $0xFFFFD800  }
0xc5: {  	[spmem:s2] =	stream.indirect.scatter.add.f32 [tilespmem:s20], [sflag:$0x3], $0x80, s25, s17, $0xb8;
	[tilespmem:$0x1D200] =	vst v63  }
0xc6: {  	_ =	swait.ge [sflag:s15], $0x2800  }
0xc7: {  	[sflag:s15] =	ssyncset.done $0x0  }
0xc8: {  	[sflag:s15] =	ssyncadd.s32 $0xFFFFD800  }
0xc9: {  	_ =	swait.ge [sflag:s21], $0x2800  }
0xca: {  	[sflag:s21] =	ssyncset.done $0x0  }
0xcb: {  	[sflag:s21] =	ssyncadd.s32 $0xFFFFD800  }
0xcc: {  	[spmem:s2] =	stream.indirect.scatter.add.f32 [tilespmem:s16], [sflag:$0x3], $0x80, s22, s17, $0xb8;
	[tilespmem:$0x1D200] =	vst v63  }
0xcd: {  	_ =	swait.ge [sflag:s15], $0x2800  }
0xce: {  	s28 =	sshll.u32 s3, $0x6;
	s26 =	sadd.s32 $0x1, s26;
	[sflag:s15] =	ssyncset.done $0x0  }
0xcf: {  	s29 =	sshrl.u32 s5, $0x3;
	p0 =	sne.s32 s26, s14;
	[sflag:s15] =	ssyncadd.s32 $0xFFFFD800  }
.Ltmp2:
0xd0: {  	s28 =	sor.u32 $0x1C03, s28;
	[bflag:$0x0] =	sbarrier.arrive $0xFFFF;
	(pc) =	sbr.rel @p0 .LBB2_1-.Ltmp2, $4  }
0xd1: {  	[hbm:s24], [sflag:s28] =	dma.local [spmem:s29], $0x2800  }
0xd2: {  	_ =	swait.ge [sflag:s15], $0x2800  }
0xd3: {  	[sflag:s15] =	ssyncset.done $0x0  }
0xd4: {  	[sflag:s15] =	ssyncadd.s32 $0xFFFFD800  }
0xd5: {  	_ =	sfence.sel $0x180000  }
0xd6: {  	[bflag:$0x0] =	sbarrier.arrive $0xFFFF  }
0xd7: {  	p0 =	sne.s32 s3, $0x0;
	_ =	strace $0x9000004A  }
0xd8: {  	s0 =	sadd.s32 @!p0 $0x100000, s0;
	[bflag:$0x2] =	sbarrier.arrive $0xFFFF  }
0xd9: {  	[sflag:s0] =	ssyncadd.tile.s32 @!p0 $0x1;
	_ =	shalt  }
.Lfunc_end2:
_tile_overlayer_lowered:
.L_overlay_start_2:
0xda: {  	(tag) =	ssettag $0x2  }
0xdb: {  	s0 =	rddreg [dreg:$0x0];
	s2 =	stileid.u32  }
0xdc: {  	s1 =	rddreg [dreg:$0x1];
	p0 =	sne.s32 s2, $0x0  }
0xdd: {  	s3 =	rddreg [dreg:$0x2];
	[bflag:$0x3] =	sbarrier.arrive $0xFFFF;
	s2 =	simm.s32 @!p0 $0x1C03  }
0xde: {  	[timem:s3], [sflag:s2] =	dma.local @!p0 [hbm:s0], s1  }
0xdf: {  	s0 =	simm.s32 @!p0 $0x3  }
0xe0: {  	_ =	swait.ge @!p0 [sflag:s0], s1  }
0xe1: {  	s1 =	ssub.s32 @!p0 $0x0, s1;
	[sflag:s0] =	ssyncset.done @!p0 $0x0  }
0xe2: {  	[sflag:s0] =	ssyncadd.s32 @!p0 s1  }
0xe3: {  	[bflag:$0x3] =	sbarrier.arrive $0xFFFF  }
0xe4: {  	_ =	shalt  }

// kernel: kernel.8.cloned.1.call-start
scs
__scs_entry_jumppad:
0x0: {  	(pc) =	sbr.rel $0x88, $3  }
0x1: {  	(tag) =	ssettag $0x0;
	lr =	simm.s32 $0x1  }
0x2: {  	[smem:$0x3F9C] =	sst lr;
	_ =	strace $0xD0000000  }
0x3: {  	_ = 	snop  }
0x4: {  	_ = 	snop  }
0x5: {  	_ = 	snop  }
0x6: {  	_ = 	snop  }
0x7: {  	_ = 	snop  }
__scs_overlays_trampoline_lowered:
0x8: {  	[smem:$0x3FAB] =	sst s0  }
0x9: {  	[smem:$0x3FAC] =	sst s1  }
0xa: {  	[smem:$0x3FAD] =	sst s2  }
0xb: {  	[smem:$0x3FAE] =	sst s3  }
0xc: {  	[smem:$0x3FAF] =	sst s4  }
0xd: {  	[smem:$0x3FB0] =	sst s5  }
0xe: {  	[smem:$0x3FB1] =	sst s6  }
0xf: {  	[smem:$0x3FB2] =	sst s7  }
0x10: {  	[smem:$0x3FB3] =	sst s8  }
0x11: {  	[smem:$0x3FB4] =	sst s9;
	s0 =	simm.s32 @!p0 $0x0  }
0x12: {  	s1 =	sld [smem:$0x3F9A];
	s0 =	simm.s32 @p0 $0x1  }
0x13: {  	[smem:$0x3FB5] =	sst s0;
	s0 =	simm.s32 @!p1 $0x0  }
0x14: {  	s2 =	sld [smem:$0x3F99];
	s0 =	simm.s32 @p1 $0x1  }
0x15: {  	[smem:$0x3FB6] =	sst s0;
	s0 =	simm.s32 @!p2 $0x0  }
0x16: {  	s3 =	sld [smem:$0x3FDB];
	s0 =	simm.s32 @p2 $0x1  }
0x17: {  	s4 =	simm.s32 $0x1BF5;
	[smem:$0x3FB8] =	sst s0  }
0x18: {  	s0 =	sld [smem:$0x3F9B];
	_ =	swait.ge [sflag:s4], $0x0  }
0x19: {  	s7 =	sld [smem:$0x3F9C]  }
0x1a: {  	s8 =	sadd.s32 $0xFFFFE003, lr  }
0x1b: {  	s9 =	sadd.s32 $0xFFFFFEF7, lr;
	s5 =	simm.s32 $0xFFFFFFFF;
	p2 =	slt.u32 s8, $0xFFFFF086  }
0x1c: {  	p1 =	slt.u32 s9, $0xF7A;
	s5 =	simm.s32 @!p2 $0x0  }
0x1d: {  	s5 =	simm.s32 @p1 $0x1;
	p0 =	seq.s32 s7, s2  }
0x1e: {  	s7 =	smul.u32 @!p0 $0xF7A, s2;
	p2 =	seq.s32 @!p0 s5, $0x0  }
0x1f: {  	s9 =	smul.u32 $0xF7A, s1;
	s8 =	simm.s32 @!p0 $0x1BF5;
	p2 =	por !p2, p0  }
0x20: {  	[sflag:s8] =	ssyncset.s32 @!p0 $0xFFFFF086;
	s6 =	sadd.s32 @!p0 s3, s7;
	s7 =	simm.s32 @!p0 $0x108  }
0x21: {  	s3 =	sadd.s32 s3, s9;
	s6 =	sadd.s32 @!p0 $0x88, s6;
	s7 =	simm.s32 @p2 $0x1082  }
0x22: {  	[simem:s7], [sflag:s8] =	dma.local @!p0 [hbm:s6], $0xF7A  }
0x23: {  	s9 =	sor.u32 $0xD0000000, s2;
	s6 =	simm.s32 $0x108;
	_ =	swait.ge @!p0 [sflag:s8], $0x0  }
0x24: {  	s3 =	sadd.s32 $0x88, s3;
	s6 =	simm.s32 @!p1 $0x1082;
	[sflag:s4] =	ssyncset.s32 $0xFFFFF086  }
0x25: {  	[simem:s6], [sflag:s4] =	dma.local [hbm:s3], $0xF7A  }
0x26: {  	[smem:$0x3F9C] =	sst s1;
	(tag) =	ssettag s2;
	_ =	strace s9  }
0x27: {  	s1 =	sld [smem:$0x3FAC]  }
0x28: {  	s2 =	sld [smem:$0x3FAD]  }
0x29: {  	s4 =	sld [smem:$0x3FAF]  }
0x2a: {  	p0 =	seq.s32 s5, $0x0;
	s5 =	sld [smem:$0x3FB0]  }
0x2b: {  	s6 =	sld [smem:$0x3FB1]  }
0x2c: {  	s7 =	sld [smem:$0x3FB2]  }
0x2d: {  	s3 =	simm.s32 $0x108;
	s8 =	sld [smem:$0x3FB3]  }
0x2e: {  	s3 =	simm.s32 @!p0 $0x1082;
	s9 =	sld [smem:$0x3FB4]  }
0x2f: {  	lr =	sadd.s32 s0, s3;
	s0 =	sld [smem:$0x3FAB]  }
0x30: {  	s3 =	sld [smem:$0x3FAE]  }
0x31: {  	[smem:$0x3FB7] =	sst s10  }
0x32: {  	s10 =	sld [smem:$0x3FB5];
	_ =	sdelay $0x3  }
0x33: {  	p0 =	seq.s32 s10, $0x1;
	s10 =	sld [smem:$0x3FB7];
	_ =	sdelay $0x3  }
0x34: {  	[smem:$0x3FB7] =	sst s10  }
0x35: {  	s10 =	sld [smem:$0x3FB6];
	_ =	sdelay $0x3  }
0x36: {  	p1 =	seq.s32 s10, $0x1;
	s10 =	sld [smem:$0x3FB7];
	_ =	sdelay $0x3  }
0x37: {  	[smem:$0x3FB7] =	sst s10  }
0x38: {  	s10 =	sld [smem:$0x3FB8]  }
0x39: {  	_ = 	snop;
	(pc) =	sbr.ind lr, $3  }
0x3a: {  	_ = 	snop  }
0x3b: {  	_ = 	snop  }
0x3c: {  	p2 =	seq.s32 s10, $0x1;
	s10 =	sld [smem:$0x3FB7]  }
0x3d: {  	_ =	shalt  }
0x3e: {  	_ =	shalt  }
0x3f: {  	_ =	shalt  }
0x40: {  	_ =	shalt  }
0x41: {  	_ =	shalt  }
0x42: {  	_ =	shalt  }
0x43: {  	_ =	shalt  }
0x44: {  	_ =	shalt  }
0x45: {  	_ =	shalt  }
0x46: {  	_ =	shalt  }
0x47: {  	_ =	shalt  }
0x48: {  	_ =	shalt  }
0x49: {  	_ =	shalt  }
0x4a: {  	_ =	shalt  }
0x4b: {  	_ =	shalt  }
0x4c: {  	_ =	shalt  }
0x4d: {  	_ =	shalt  }
0x4e: {  	_ =	shalt  }
0x4f: {  	_ =	shalt  }
0x50: {  	_ =	shalt  }
0x51: {  	_ =	shalt  }
0x52: {  	_ =	shalt  }
0x53: {  	_ =	shalt  }
0x54: {  	_ =	shalt  }
0x55: {  	_ =	shalt  }
0x56: {  	_ =	shalt  }
0x57: {  	_ =	shalt  }
0x58: {  	_ =	shalt  }
0x59: {  	_ =	shalt  }
0x5a: {  	_ =	shalt  }
0x5b: {  	_ =	shalt  }
0x5c: {  	_ =	shalt  }
0x5d: {  	_ =	shalt  }
0x5e: {  	_ =	shalt  }
0x5f: {  	_ =	shalt  }
0x60: {  	_ =	shalt  }
0x61: {  	_ =	shalt  }
0x62: {  	_ =	shalt  }
0x63: {  	_ =	shalt  }
0x64: {  	_ =	shalt  }
0x65: {  	_ =	shalt  }
0x66: {  	_ =	shalt  }
0x67: {  	_ =	shalt  }
0x68: {  	_ =	shalt  }
0x69: {  	_ =	shalt  }
0x6a: {  	_ =	shalt  }
0x6b: {  	_ =	shalt  }
0x6c: {  	_ =	shalt  }
0x6d: {  	_ =	shalt  }
0x6e: {  	_ =	shalt  }
0x6f: {  	_ =	shalt  }
0x70: {  	_ =	shalt  }
0x71: {  	_ =	shalt  }
0x72: {  	_ =	shalt  }
0x73: {  	_ =	shalt  }
0x74: {  	_ =	shalt  }
0x75: {  	_ =	shalt  }
0x76: {  	_ =	shalt  }
0x77: {  	_ =	shalt  }
0x78: {  	_ =	shalt  }
0x79: {  	_ =	shalt  }
0x7a: {  	_ =	shalt  }
0x7b: {  	_ =	shalt  }
0x7c: {  	_ =	shalt  }
0x7d: {  	_ =	shalt  }
0x7e: {  	_ =	shalt  }
0x7f: {  	_ =	shalt  }
0x80: {  	_ =	shalt  }
0x81: {  	_ =	shalt  }
0x82: {  	_ =	shalt  }
0x83: {  	_ =	shalt  }
0x84: {  	_ =	shalt  }
0x85: {  	_ =	shalt  }
0x86: {  	_ =	shalt  }
0x87: {  	_ =	shalt  }
.Lfunc_end0:
.L_simem_size_0:
called_computation_lowered:
.L_overlay_start_0:
0x88: {  	s2 =	sld [smem:$0x3FD9]  }
0x89: {  	s3 =	sld [smem:$0x3FFE];
	_ =	sdelay $0x1  }
0x8a: {  	s1 =	srdreg.scid  }
0x8b: {  	s0 =	sand.u32 $0x1, s1  }
0x8c: {  	s17 =	sshll.u32 s0, $0xA;
	s2 =	sadd.s32 s3, s2  }
0x8d: {  	s2 =	sadd.s32 s2, s17  }
0x8e: {  	[smem:$0x3FC3] =	sst s2  }
0x8f: {  	_ = 	snop  }
0x90: {  	s2 =	sld [smem:$0x3FD0];
	(tm) =	ssettm $0x1  }
0x91: {  	s18 =	sld [smem:$0x3FFB];
	_ =	sdelay $0x3  }
0x92: {  	_ =	strace s18  }
0x93: {  	s3 =	sld [smem:$0x3FFC];
	_ =	sdelay $0x3  }
0x94: {  	_ =	strace s3  }
0x95: {  	s3 =	sld [smem:$0x3FFD];
	_ =	sdelay $0x3  }
0x96: {  	_ =	strace s3  }
0x97: {  	_ =	strace $0x8FFFFFFF  }
0x98: {  	s19 =	sld [smem:$0x3FDB];
	_ =	sdelay $0x1  }
0x99: {  	s4 =	simm.s32 $_scs_section_size  }
0x9a: {  	s5 =	simm.s32 $_size__tile_overlayer_lowered;
	s6 =	simm.s32 $_tile_overlayer_lowered  }
0x9b: {  	s22 =	simm.s32 $0x1BFF;
	s21 =	sshll.u32 s6, $0x1;
	s3 =	sadd.s32 s4, s19  }
0x9c: {  	s7 =	simm.s32 $0x0;
	s20 =	sshll.u32 s5, $0x1;
	s5 =	sadd.s32 s21, s3  }
0x9d: {  	[timem:s7], [sflag:s22] =	dma.local [hbm:s5], s20  }
0x9e: {  	_ =	swait.ge [sflag:s22], s20  }
0x9f: {  	s4 =	ssub.s32 $0x0, s20;
	[sflag:s22] =	ssyncset.done $0x0  }
0xa0: {  	[sflag:s22] =	ssyncadd.s32 s4;
	_ =	sdelay $0x1  }
0xa1: {  	s23 =	simm.s32 $0x1B8B  }
0xa2: {  	_ =	swait.ge [sflag:s23], $0x1  }
0xa3: {  	[sflag:s23] =	ssyncset.done $0x0  }
0xa4: {  	s25 =	simm.s32 $0x1B8E;
	s24 =	sld [smem:$0x3FFE];
	[sflag:s23] =	ssyncadd.s32 $0xFFFFFFFF  }
0xa5: {  	s26 =	simm.s32 $execute0_lowered;
	[smem:$0x3FD2] =	sst s25  }
0xa6: {  	s5 =	sshll.u32 s26, $0x1;
	_ =	strace $0x80000046;
	[dreg:$0x1] =	wrdreg $0xFFFFFFFF  }
0xa7: {  	s28 =	simm.s32 $_size_execute0_lowered;
	s3 =	sadd.s32 s3, s5;
	[dreg:$0x0] =	wrdreg $0x0  }
0xa8: {  	s5 =	sshll.u32 s28, $0x1;
	[dreg:$0x2] =	wrdreg s3  }
0xa9: {  	[dreg:$0x3] =	wrdreg s5  }
0xaa: {  	[dreg:$0x4] =	wrdreg $0xC0  }
0xab: {  	_ =	task [dreg:s7], $0x5FFFF  }
0xac: {  	[dreg:$0x1] =	wrdreg $0xFFFFFFFF  }
0xad: {  	[dreg:$0x0] =	wrdreg $0x60  }
0xae: {  	[dreg:$0x2] =	wrdreg s2  }
0xaf: {  	[dreg:$0x3] =	wrdreg s24  }
0xb0: {  	[dreg:$0x4] =	wrdreg $0xD0000  }
0xb1: {  	[dreg:$0x5] =	wrdreg $0x9  }
0xb2: {  	_ =	task.clear_ibuf [dreg:s7], $0x6FFFF;
	_ =	strace $0x90000046  }
0xb3: {  	s29 =	simm.s32 $0x9;
	_ =	strace $0x80000048  }
0xb4: {  	_ =	swait.ge [sflag:s29], $0x1  }
0xb5: {  	[sflag:s29] =	ssyncadd.s32 $0xFFFFFFFF  }
0xb6: {  	_ =	strace $0x90000048  }
0xb7: {  	_ =	sfence  }
0xb8: {  	s30 =	sld [smem:$0x0];
	_ =	sdelay $0x2  }
0xb9: {  	s31 =	sshll.u32 s1, $0xD;
	s1 =	sshrl.u32 s1, $0x2  }
0xba: {  	s3 =	sand.u32 $0x4000, s31;
	s1 =	sadd.s32 s1, s30  }
0xbb: {  	s0 =	sor.u32 s3, s0;
	s1 =	sshll.u32 s1, $0x11  }
0xbc: {  	s0 =	sor.u32 s1, s0  }
0xbd: {  	s0 =	sadd.s32 $0x8F2B, s0  }
0xbe: {  	[sflag:s0] =	ssyncadd.remote.s32 $0x1  }
0xbf: {  	_ =	sfence.sel $0xFFFF  }
0xc0: {  	[dreg:$0x0] =	wrdreg $0xFFFFFFFF;
	(pc) =	sbr.abs _section_cstart, $3  }
0xc1: {  	[dreg:$0x1] =	wrdreg $0xFFFFFFFF  }
0xc2: {  	_ =	task.clear_ibuf [dreg:s7], $0x2FFFF;
	_ =	strace $0x9FFFFFFF  }
0xc3: {  	(tm) =	ssettm $0x7FFFFFFF  }
tec
execute0_lowered:
.L_overlay_start_1:
0x0: {  	(tag) =	ssettag $0x1  }
0x1: {  	s1 =	rddreg [dreg:$0x0]  }
0x2: {  	s5 =	rddreg [dreg:$0x1]  }
0x3: {  	s2 =	rddreg [dreg:$0x2]  }
0x4: {  	s3 =	srdreg.scid;
	s0 =	rddreg [dreg:$0x3];
	s4 =	simm.s32 $0x0  }
0x5: {  	s11 =	simm.s32 $0x8000;
	s12 =	simm.s32 $0x50;
	s13 =	simm.s32 $0xA800  }
0x6: {  	s14 =	simm.s32 $0x1;
	s15 =	simm.s32 $0x2;
	s6 =	sand.u32 $0x1, s3  }
0x7: {  	s16 =	simm.s32 $0x7E00;
	s3 =	stileid.u32;
	s7 =	smul.u32 $0xA000, s6  }
0x8: {  	[smem:$0x7FF] =	sst s4;
	s8 =	sshll.u32 s3, $0xB;
	s9 =	smul.u32 $0x14000, s3  }
0x9: {  	_ =	strace $0x80000047;
	s28 =	ssub.s32 $0x2, s6;
	s29 =	sshll.u32 s6, $0xF  }
0xa: {  	s18 =	smul.u32 $0xA00, s3;
	s19 =	sshll.u32 s3, $0x6;
	s8 =	sadd.s32 s8, s5  }
0xb: {  	s31 =	sshrl.u32 s28, $0x1;
	s10 =	sadd.s32 s7, s5;
	s30 =	sshrl.u32 s9, $0x2  }
0xc: {  	s8 =	sadd.s32 s29, s8;
	s9 =	ssub.s32 s28, s31;
	s5 =	sadd.s32 s30, s2  }
0xd: {  	s6 =	sadd.s32 $0x1C00, s8;
	s17 =	sadd.s32 $0x11C00, s10;
	s8 =	smax.u32 s9, $0x1  }
0xe: {  	s9 =	simm.s32 $0x4000;
	s10 =	simm.s32 $0x3;
	s7 =	sadd.s32 $0x2800, s5  }
0xf: {  	v0 =	vimm.f32 $0.0e+00;
	s17 =	sadd.s32 s18, s17;
	s18 =	sor.u32 $0x1C03, s19;
	s19 =	simm.s32 $0x0  }
.LBB2_1:
0x10: {  	[tilespmem:s9], [sflag:$0x3] =	stream.linear.gather [hbm4b:s6+s4], $0x3E80, $0x38;
	[tilespmem:$0x12000] =	vst v63  }
0x11: {  	_ =	swait.ge [sflag:s10], $0x3E80  }
0x12: {  	[sflag:s10] =	ssyncset.done $0x0  }
0x13: {  	s20 =	simm.s32 $0x0;
	[sflag:s10] =	ssyncadd.s32 $0xFFFFC180  }
0x14: {  	v1 =	vld [tilespmem:s20+$0x4000]  }
0x15: {  	v2 =	vld [tilespmem:s20+$0x4010]  }
0x16: {  	v3 =	vld [tilespmem:s20+$0x4020]  }
0x17: {  	v5 =	vld [tilespmem:s20+$0x4030]  }
0x18: {  	v6 =	vld [tilespmem:s20+$0x4040]  }
0x19: {  	v4 =	vand.u32 $0xFFF, v1  }
0x1a: {  	[tilespmem:s20+$0x4000] =	vst v4;
	v4 =	vand.u32 $0xFFF, v2  }
0x1b: {  	[tilespmem:s20+$0x4010] =	vst v4;
	v4 =	vand.u32 $0xFFF, v3  }
0x1c: {  	[tilespmem:s20+$0x4020] =	vst v4;
	v4 =	vand.u32 $0xFFF, v5  }
0x1d: {  	s21 =	simm.s32 $0x80;
	v7 =	vand.u32 $0xFFF, v6;
	[tilespmem:s20+$0x4030] =	vst v4  }
0x1e: {  	v4 =	vld [tilespmem:s21+$0x4000];
	[tilespmem:s20+$0x4040] =	vst v7;
	v7 =	vshrl.u32 v1, $0xC  }
0x1f: {  	v1 =	vld [tilespmem:s21+$0x4010];
	[tilespmem:s20+$0x0] =	vst v7;
	v7 =	vshrl.u32 v2, $0xC  }
0x20: {  	v2 =	vld [tilespmem:s21+$0x4020];
	[tilespmem:s20+$0x10] =	vst v7;
	v7 =	vshrl.u32 v3, $0xC  }
0x21: {  	s22 =	simm.s32 $0x400;
	v6 =	vshrl.u32 v6, $0xC;
	v5 =	vshrl.u32 v5, $0xC;
	v3 =	vld [tilespmem:s21+$0x4030];
	[tilespmem:s20+$0x20] =	vst v7  }
.LBB2_2:
0x22: {  	p0 =	sne.s32 s22, $0xF800;
	v7 =	vld [tilespmem:s21+$0x4040];
	[tilespmem:s20+$0x30] =	vst v5  }
0x23: {  	v8 =	vshrl.u32 v4, $0xC;
	v4 =	vand.u32 $0xFFF, v4;
	[tilespmem:s20+$0x40] =	vst v6;
	s20 =	smov.u32 s21  }
0x24: {  	[tilespmem:s20+$0x4000] =	vst v4;
	v9 =	vshrl.u32 v1, $0xC;
	v1 =	vand.u32 $0xFFF, v1  }
0x25: {  	[tilespmem:s20+$0x4010] =	vst v1;
	v10 =	vshrl.u32 v2, $0xC;
	v1 =	vand.u32 $0xFFF, v2  }
0x26: {  	[tilespmem:s20+$0x4020] =	vst v1;
	v5 =	vshrl.u32 v3, $0xC;
	v1 =	vand.u32 $0xFFF, v3  }
.Ltmp0:
0x27: {  	s21 =	sshra.s32 s22, $0x2;
	[tilespmem:s20+$0x4030] =	vst v1;
	v6 =	vshrl.u32 v7, $0xC;
	v1 =	vand.u32 $0xFFF, v7;
	(pc) =	sbr.rel @p0 .LBB2_2-.Ltmp0, $4  }
0x28: {  	v4 =	vld [tilespmem:s21+$0x4000];
	[tilespmem:s20+$0x4040] =	vst v1  }
0x29: {  	v1 =	vld [tilespmem:s21+$0x4010];
	[tilespmem:s20+$0x0] =	vst v8  }
0x2a: {  	v2 =	vld [tilespmem:s21+$0x4020];
	[tilespmem:s20+$0x10] =	vst v9  }
0x2b: {  	s22 =	sadd.s32 $0x200, s22;
	v3 =	vld [tilespmem:s21+$0x4030];
	[tilespmem:s20+$0x20] =	vst v10  }
0x2c: {  	v7 =	vld [tilespmem:s21+$0x4040];
	[tilespmem:s20+$0x30] =	vst v5  }
0x2d: {  	[tilespmem:s20+$0x40] =	vst v6;
	v58 =	vand.u32 $0xFFF, v4  }
0x2e: {  	v63 =	vshrl.u32 v4, $0xC;
	[tilespmem:s21+$0x4000] =	vst v58  }
0x2f: {  	v59 =	vand.u32 $0xFFF, v1;
	[tilespmem:s21+$0x0] =	vst v63  }
0x30: {  	v1 =	vshrl.u32 v1, $0xC;
	[tilespmem:s21+$0x4010] =	vst v59  }
0x31: {  	v60 =	vand.u32 $0xFFF, v2;
	[tilespmem:s21+$0x10] =	vst v1  }
0x32: {  	v2 =	vshrl.u32 v2, $0xC;
	[tilespmem:s21+$0x4020] =	vst v60  }
0x33: {  	v61 =	vand.u32 $0xFFF, v3;
	[tilespmem:s21+$0x20] =	vst v2  }
0x34: {  	v1 =	vshrl.u32 v3, $0xC;
	[tilespmem:s21+$0x4030] =	vst v61  }
0x35: {  	v62 =	vand.u32 $0xFFF, v7;
	[tilespmem:s21+$0x30] =	vst v1  }
0x36: {  	v2 =	vshrl.u32 v7, $0xC;
	[tilespmem:s21+$0x4040] =	vst v62  }
0x37: {  	s20 =	simm.s32 $0x0;
	[tilespmem:s21+$0x40] =	vst v2;
	s21 =	simm.s32 $0x200  }
.LBB2_4:
0x38: {  	p0 =	sne.s32 s21, $0x9E00;
	[tilespmem:s20+$0x8070] =	vst v0  }
0x39: {  	[tilespmem:s20+$0x8000] =	vst v0  }
0x3a: {  	[tilespmem:s20+$0x8010] =	vst v0  }
.Ltmp1:
0x3b: {  	[tilespmem:s20+$0x8020] =	vst v0;
	(pc) =	sbr.rel @p0 .LBB2_4-.Ltmp1, $4  }
0x3c: {  	[tilespmem:s20+$0x8030] =	vst v0  }
0x3d: {  	[tilespmem:s20+$0x8040] =	vst v0  }
0x3e: {  	[tilespmem:s20+$0x8050] =	vst v0  }
0x3f: {  	[tilespmem:s20+$0x8060] =	vst v0;
	s20 =	sshra.s32 s21, $0x2;
	s21 =	sadd.s32 $0x200, s21  }
0x40: {  	[tilespmem:s20+$0x8070] =	vst v0  }
0x41: {  	[tilespmem:s20+$0x8000] =	vst v0  }
0x42: {  	[tilespmem:s20+$0x8010] =	vst v0  }
0x43: {  	[tilespmem:s20+$0x8020] =	vst v0  }
0x44: {  	[tilespmem:s20+$0x8030] =	vst v0  }
0x45: {  	[tilespmem:s20+$0x8040] =	vst v0  }
0x46: {  	[tilespmem:s20+$0x8050] =	vst v0  }
0x47: {  	[tilespmem:s20+$0x8060] =	vst v0  }
0x48: {  	[spmem:s5] =	stream.linear.scatter [tilespmem:s11], [sflag:$0x3], $0x2800, $0x38;
	[tilespmem:$0x12000] =	vst v63  }
0x49: {  	_ =	swait.ge [sflag:s10], $0x2800  }
0x4a: {  	[sflag:s10] =	ssyncset.done $0x0  }
0x4b: {  	[sflag:s10] =	ssyncadd.s32 $0xFFFFD800  }
0x4c: {  	[spmem:s7] =	stream.linear.scatter [tilespmem:s11], [sflag:$0x3], $0x2800, $0x38;
	[tilespmem:$0x12000] =	vst v63  }
0x4d: {  	_ =	swait.ge [sflag:s10], $0x2800  }
0x4e: {  	[sflag:s10] =	ssyncset.done $0x0  }
0x4f: {  	[sflag:s10] =	ssyncadd.s32 $0xFFFFD800  }
0x50: {  	s26 =	simm.s32 $0x0;
	[bflag:$0x0] =	sbarrier.arrive $0xFFFF  }
0x51: {  	[tilespmem:s11], [sflag:$0x1] =	stream.indirect.gather [hbm4b:s1+s12], $0x80, s26, s12, $0xb8;
	[tilespmem:$0x12000] =	vst v63  }
0x52: {  	s28 =	simm.s32 $0x80  }
0x53: {  	[tilespmem:s13], [sflag:$0x2] =	stream.indirect.gather [hbm4b:s1+s12], $0x80, s28, s12, $0xb8;
	[tilespmem:$0x12000] =	vst v63  }
0x54: {  	_ =	swait.ge [sflag:s14], $0x2800  }
0x55: {  	[sflag:s14] =	ssyncset.done $0x0  }
0x56: {  	s29 =	simm.s32 $0x4000;
	[sflag:s14] =	ssyncadd.s32 $0xFFFFD800  }
0x57: {  	[spmem:s2] =	stream.indirect.scatter.add.f32 [tilespmem:s11], [sflag:$0x3], $0x80, s29, s12, $0xb8;
	[tilespmem:$0x12000] =	vst v63  }
0x58: {  	_ =	swait.ge [sflag:s10], $0x2800  }
0x59: {  	[sflag:s10] =	ssyncset.done $0x0  }
0x5a: {  	s30 =	simm.s32 $0x100;
	[sflag:s10] =	ssyncadd.s32 $0xFFFFD800  }
0x5b: {  	[tilespmem:s11], [sflag:$0x1] =	stream.indirect.gather [hbm4b:s1+s12], $0x80, s30, s12, $0xb8;
	[tilespmem:$0x12000] =	vst v63  }
0x5c: {  	_ =	swait.ge [sflag:s15], $0x2800  }
0x5d: {  	[sflag:s15] =	ssyncset.done $0x0  }
0x5e: {  	s31 =	simm.s32 $0x4080;
	[sflag:s15] =	ssyncadd.s32 $0xFFFFD800  }
0x5f: {  	[spmem:s2] =	stream.indirect.scatter.add.f32 [tilespmem:s13], [sflag:$0x3], $0x80, s31, s12, $0xb8;
	[tilespmem:$0x12000] =	vst v63  }
0x60: {  	_ =	swait.ge [sflag:s10], $0x2800  }
0x61: {  	s21 =	simm.s32 $0x800;
	s20 =	simm.s32 $0x100;
	[sflag:s10] =	ssyncset.done $0x0  }
.LBB2_6:
0x62: {  	s22 =	sadd.s32 $0x80, s20  }
0x63: {  	[sflag:s10] =	ssyncadd.s32 $0xFFFFD800;
	s23 =	smov.u32 s21;
	s24 =	sadd.s32 $0x400, s21  }
0x64: {  	[tilespmem:s13], [sflag:$0x2] =	stream.indirect.gather [hbm4b:s1+s12], $0x80, s22, s12, $0xb8;
	[tilespmem:$0x12000] =	vst v63  }
0x65: {  	p0 =	sne.s32 s21, $0xF400;
	_ =	swait.ge [sflag:s14], $0x2800  }
0x66: {  	[sflag:s14] =	ssyncset.done $0x0  }
0x67: {  	s21 =	sadd.s32 $0x4000, s20;
	[sflag:s14] =	ssyncadd.s32 $0xFFFFD800  }
0x68: {  	[spmem:s2] =	stream.indirect.scatter.add.f32 [tilespmem:s11], [sflag:$0x3], $0x80, s21, s12, $0xb8;
	[tilespmem:$0x12000] =	vst v63  }
0x69: {  	_ =	swait.ge [sflag:s10], $0x2800  }
0x6a: {  	[sflag:s10] =	ssyncset.done $0x0  }
0x6b: {  	s21 =	sadd.s32 $0x100, s20;
	[sflag:s10] =	ssyncadd.s32 $0xFFFFD800  }
0x6c: {  	[tilespmem:s11], [sflag:$0x1] =	stream.indirect.gather [hbm4b:s1+s12], $0x80, s21, s12, $0xb8;
	[tilespmem:$0x12000] =	vst v63  }
0x6d: {  	_ =	swait.ge [sflag:s15], $0x2800  }
.Ltmp2:
0x6e: {  	[sflag:s15] =	ssyncset.done $0x0;
	(pc) =	sbr.rel @p0 .LBB2_6-.Ltmp2, $4  }
0x6f: {  	s20 =	sadd.s32 $0x4080, s20;
	[sflag:s15] =	ssyncadd.s32 $0xFFFFD800  }
0x70: {  	[spmem:s2] =	stream.indirect.scatter.add.f32 [tilespmem:s13], [sflag:$0x3], $0x80, s20, s12, $0xb8;
	[tilespmem:$0x12000] =	vst v63  }
0x71: {  	_ =	swait.ge [sflag:s10], $0x2800  }
0x72: {  	s21 =	smov.u32 s24;
	s20 =	sshra.s32 s23, $0x2;
	[sflag:s10] =	ssyncset.done $0x0  }
0x73: {  	s21 =	sadd.s32 $0x80, s20;
	[sflag:s10] =	ssyncadd.s32 $0xFFFFD800  }
0x74: {  	[tilespmem:s13], [sflag:$0x2] =	stream.indirect.gather [hbm4b:s1+s12], $0x80, s21, s12, $0xb8;
	[tilespmem:$0x12000] =	vst v63  }
0x75: {  	_ =	swait.ge [sflag:s14], $0x2800  }
0x76: {  	[sflag:s14] =	ssyncset.done $0x0  }
0x77: {  	s28 =	sadd.s32 $0x4000, s20;
	[sflag:s14] =	ssyncadd.s32 $0xFFFFD800  }
0x78: {  	[spmem:s2] =	stream.indirect.scatter.add.f32 [tilespmem:s11], [sflag:$0x3], $0x80, s28, s12, $0xb8;
	[tilespmem:$0x12000] =	vst v63  }
0x79: {  	_ =	swait.ge [sflag:s10], $0x2800  }
0x7a: {  	[sflag:s10] =	ssyncset.done $0x0  }
0x7b: {  	s29 =	sadd.s32 $0x100, s20;
	[sflag:s10] =	ssyncadd.s32 $0xFFFFD800  }
0x7c: {  	[tilespmem:s11], [sflag:$0x1] =	stream.indirect.gather [hbm4b:s1+s12], $0x80, s29, s12, $0xb8;
	[tilespmem:$0x12000] =	vst v63  }
0x7d: {  	_ =	swait.ge [sflag:s15], $0x2800  }
0x7e: {  	[sflag:s15] =	ssyncset.done $0x0  }
0x7f: {  	s30 =	sadd.s32 $0x4080, s20;
	[sflag:s15] =	ssyncadd.s32 $0xFFFFD800  }
0x80: {  	[spmem:s2] =	stream.indirect.scatter.add.f32 [tilespmem:s13], [sflag:$0x3], $0x80, s30, s12, $0xb8;
	[tilespmem:$0x12000] =	vst v63  }
0x81: {  	_ =	swait.ge [sflag:s10], $0x2800  }
0x82: {  	[sflag:s10] =	ssyncset.done $0x0  }
0x83: {  	[sflag:s10] =	ssyncadd.s32 $0xFFFFD800  }
0x84: {  	_ =	swait.ge [sflag:s14], $0x2800  }
0x85: {  	[sflag:s14] =	ssyncset.done $0x0  }
0x86: {  	[sflag:s14] =	ssyncadd.s32 $0xFFFFD800  }
0x87: {  	[spmem:s2] =	stream.indirect.scatter.add.f32 [tilespmem:s11], [sflag:$0x3], $0x80, s16, s12, $0xb8;
	[tilespmem:$0x12000] =	vst v63  }
0x88: {  	_ =	swait.ge [sflag:s10], $0x2800  }
0x89: {  	s19 =	sadd.s32 $0x1, s19;
	[sflag:s10] =	ssyncset.done $0x0  }
0x8a: {  	p0 =	sne.s32 s19, s8;
	[sflag:s10] =	ssyncadd.s32 $0xFFFFD800  }
.Ltmp3:
0x8b: {  	s31 =	sshrl.u32 s5, $0x3;
	[bflag:$0x0] =	sbarrier.arrive $0xFFFF;
	(pc) =	sbr.rel @p0 .LBB2_1-.Ltmp3, $4  }
0x8c: {  	[hbm:s17], [sflag:s18] =	dma.local [spmem:s31], $0xA00  }
0x8d: {  	_ =	swait.ge [sflag:s10], $0xA00  }
0x8e: {  	[sflag:s10] =	ssyncset.done $0x0  }
0x8f: {  	[sflag:s10] =	ssyncadd.s32 $0xFFFFF600  }
0x90: {  	_ =	sfence.sel $0x180000  }
0x91: {  	[bflag:$0x0] =	sbarrier.arrive $0xFFFF  }
0x92: {  	p0 =	sne.s32 s3, $0x0;
	_ =	strace $0x90000047  }
0x93: {  	s0 =	sadd.s32 @!p0 $0x100000, s0;
	[bflag:$0x2] =	sbarrier.arrive $0xFFFF  }
0x94: {  	[sflag:s0] =	ssyncadd.tile.s32 @!p0 $0x1;
	_ =	shalt  }
.Lfunc_end2:
_tile_overlayer_lowered:
.L_overlay_start_2:
0x95: {  	(tag) =	ssettag $0x2  }
0x96: {  	s0 =	rddreg [dreg:$0x0];
	s2 =	stileid.u32  }
0x97: {  	s1 =	rddreg [dreg:$0x1];
	p0 =	sne.s32 s2, $0x0  }
0x98: {  	s3 =	rddreg [dreg:$0x2];
	[bflag:$0x3] =	sbarrier.arrive $0xFFFF;
	s2 =	simm.s32 @!p0 $0x1C03  }
0x99: {  	[timem:s3], [sflag:s2] =	dma.local @!p0 [hbm:s0], s1  }
0x9a: {  	s0 =	simm.s32 @!p0 $0x3  }
0x9b: {  	_ =	swait.ge @!p0 [sflag:s0], s1  }
0x9c: {  	s1 =	ssub.s32 @!p0 $0x0, s1;
	[sflag:s0] =	ssyncset.done @!p0 $0x0  }
0x9d: {  	[sflag:s0] =	ssyncadd.s32 @!p0 s1  }
0x9e: {  	[bflag:$0x3] =	sbarrier.arrive $0xFFFF  }
0x9f: {  	_ =	shalt  }

</sc_bundles>
